<compile_context>
chip_gen: v7x
topology: tpu7x:2x2x1
jax: 0.10.2.dev20260603
libtpu: 0.0.44.dev20260713+nightly
codegen_flags: <defaults>
</compile_context>

<pallas_src>
import functools

import jax
import jax.numpy as jnp
from jax import lax
from jax.experimental import pallas as pl
from jax.experimental.pallas import tpu as pltpu
from jax.experimental.pallas import tpu_sc as plsc

N = 1048576
NC = 2
NS = 16
NT = NC * NS
SHARD = N // NT
NV = SHARD // 16
NBINS = 2048
UNROLL = 4
_SIGN = -2147483648
D0, D1, D2 = (0, 11), (11, 11), (22, 10)

IOTA = lambda: lax.broadcasted_iota(jnp.int32, (16,), 0)


def SIGN():
    return jnp.int32(_SIGN)


def _i32(v):
    return plsc.bitcast(v, jnp.int32)


def _f32(v):
    return plsc.bitcast(v, jnp.float32)


def _key_of(vf32, convert):
    b = _i32(vf32)
    if not convert:
        return b
    flip = jnp.where(b < 0, jnp.int32(-1), SIGN())
    return b ^ flip


def _digit(k, dg):
    shift, nbits = dg
    sh = jnp.full((16,), shift, jnp.int32)
    return lax.shift_right_logical(k, sh) & jnp.int32((1 << nbits) - 1)


def _zero(hist):
    @plsc.parallel_loop(0, NBINS // 16, unroll=4)
    def _(i):
        hist[pl.ds(i * 16, 16)] = jnp.zeros((16,), jnp.int32)


def _hist_pass(src, hist, dg, convert):
    @plsc.parallel_loop(0, NV, unroll=8)
    def _(j):
        k = _key_of(src[pl.ds(j * 16, 16)], convert)
        d = _digit(k, dg)
        occ, last = plsc.scan_count(d)
        plsc.addupdate_scatter(hist, [d], occ, mask=last)


def _prefix(hist):
    def body(i, carry):
        v = hist[pl.ds(i * 16, 16)]
        hist[pl.ds(i * 16, 16)] = carry + plsc.cumsum(v) - v
        return carry + jnp.sum(v)

    lax.fori_loop(0, NBINS // 16, body, jnp.int32(0))


def _perm_pass(src, dst, offs, dg, convert, hist2=None, dg2=None,
               shifted=None):

    def body(j, _):
        for u in range(UNROLL):
            k = _key_of(src[pl.ds((j * UNROLL + u) * 16, 16)], convert)
            d = _digit(k, dg)
            occ, last = plsc.scan_count(d)
            b0 = plsc.load_gather(offs, [d])
            pos = b0 + occ - 1
            plsc.store_scatter(dst, [pos], _f32(k))
            plsc.addupdate_scatter(offs, [d], occ, mask=last)
            if hist2 is not None:
                d2 = _digit(k, dg2)
                occ2, last2 = plsc.scan_count(d2)
                plsc.addupdate_scatter(hist2, [d2], occ2, mask=last2)
            if shifted is not None:
                sidx = (pos + 1) & jnp.int32(SHARD - 1)
                plsc.store_scatter(shifted, [sidx], _f32(k))
        return 0

    lax.fori_loop(0, NV // UNROLL, body, 0)


def _tec_body(x_hbm, out_hbm, buf0, buf1, buf2, hist_a, hist_b, flagv):
    c = lax.axis_index("c")
    s = lax.axis_index("s")
    wid = s * NC + c
    base = wid * SHARD

    pltpu.sync_copy(x_hbm.at[pl.ds(base, SHARD)], buf0)

    _zero(hist_a)
    _hist_pass(buf0, hist_a, D0, convert=True)
    _prefix(hist_a)
    _zero(hist_b)
    _perm_pass(buf0, buf1, hist_a, D0, True, hist2=hist_b, dg2=D1)
    _prefix(hist_b)
    _zero(hist_a)
    _perm_pass(buf1, buf0, hist_b, D1, False, hist2=hist_a, dg2=D2)
    _prefix(hist_a)
    _perm_pass(buf0, buf1, hist_a, D2, False, shifted=buf2)

    @plsc.parallel_loop(0, NV, unroll=8,
                        carry=(jnp.zeros((16,), jnp.int32), jnp.int32(0)))
    def fwd_result(j, carry):
        viol, tot = carry
        sl = pl.ds(j * 16, 16)
        cur = _i32(buf1[sl])
        prv = _i32(buf2[sl])
        jv = jnp.zeros((16,), jnp.int32) + j
        first = jnp.logical_and(jv == 0, IOTA() == 0)
        f = jnp.where(first, jnp.int32(1),
                      jnp.where(cur != prv, jnp.int32(1), jnp.int32(0)))
        buf2[sl] = _f32(f)
        bad = jnp.logical_and((prv ^ SIGN()) > (cur ^ SIGN()),
                              jnp.logical_not(first))
        viol = viol + jnp.where(bad, jnp.int32(1), jnp.int32(0))
        buf0[sl] = _f32(tot + plsc.cumsum(f))
        return viol, tot + jnp.sum(f)

    sort_viol, total = fwd_result

    @plsc.parallel_loop(0, NV, unroll=8,
                        carry=(jnp.int32(0), jnp.zeros((16,), jnp.int32)))
    def bwd_result(m, carry):
        sufc, bad = carry
        j = NV - 1 - m
        sl = pl.ds(j * 16, 16)
        f = _i32(buf2[sl])
        pre = _i32(buf0[sl])
        cum = plsc.cumsum(f)
        tot = jnp.sum(f)
        suf = sufc + tot - cum + f
        bad = bad + jnp.where(pre + suf != total + f,
                              jnp.int32(1), jnp.int32(0))
        return sufc + tot, bad

    _, bad_total = bwd_result

    flagv[...] = bad_total + sort_viol
    pltpu.sync_copy(flagv, out_hbm.at[wid])


_sc_unique_cmp = functools.partial(
    pl.kernel,
    out_type=jax.ShapeDtypeStruct((NT, 16), jnp.int32),
    mesh=plsc.VectorSubcoreMesh(core_axis_name="c", subcore_axis_name="s"),
    compiler_params=pltpu.CompilerParams(needs_layout_passes=False),
    scratch_types=[
        pltpu.VMEM((SHARD,), jnp.float32),
        pltpu.VMEM((SHARD,), jnp.float32),
        pltpu.VMEM((SHARD,), jnp.float32),
        pltpu.VMEM((NBINS,), jnp.int32),
        pltpu.VMEM((NBINS,), jnp.int32),
        pltpu.VMEM((16,), jnp.int32),
    ],
)(_tec_body)


def kernel(x):
    flags = _sc_unique_cmp(x)
    return jnp.all(flags == 0)

# --- scband reference (transcript-rebuilt; emitter-appended) ---
"""Pipeline reference for scband-my-model-61933428409175 (READ-ONLY COPY).

The authoritative reference and input builder live on the scoring server;
editing this copy changes nothing except your own understanding.
"""

import jax, jax.numpy as jnp
import numpy as np


def setup_inputs(seed: int = 0) -> dict:
    key = jax.random.key(seed)
    x = jax.random.normal(key, (1048576,), dtype=jnp.float32)
    return {"x": x}


def reference(x):
    # torch.unique(x, sorted=False, return_inverse=True) -> flattened unique + inverse
    _, inv_non_dim = jnp.unique(x, return_inverse=True, size=x.shape[0], fill_value=0)
    # torch.unique(x, sorted=False, return_inverse=True, dim=0) -> unique along axis 0
    _, inv_dim = jnp.unique(x, return_inverse=True, axis=0, size=x.shape[0], fill_value=0)
    inv_non_dim = jnp.ravel(inv_non_dim)
    inv_dim = jnp.ravel(inv_dim)
    return jnp.all(inv_non_dim == inv_dim)

if __name__ == "__main__":
    import jax
    _d = setup_inputs()
    print(jax.jit(kernel)(*tuple(_d.values())))

</pallas_src>

<mosaic_0001>
#map = affine_map<(d0, d1) -> (0)>
#map1 = affine_map<(d0, d1) -> (0, 0)>
module attributes {stable_mosaic.version = 14 : i64} {
  func.func @_tec_body(%arg0: i32, %arg1: i32, %arg2: memref<1048576xf32, #tpu.memory_space<hbm>>, %arg3: memref<32x16xi32, #tpu.memory_space<hbm>>, %arg4: memref<32768xf32, #tpu.memory_space<vmem>>, %arg5: memref<32768xf32, #tpu.memory_space<vmem>>, %arg6: memref<32768xf32, #tpu.memory_space<vmem>>, %arg7: memref<2048xi32, #tpu.memory_space<vmem>>, %arg8: memref<2048xi32, #tpu.memory_space<vmem>>, %arg9: memref<16xi32, #tpu.memory_space<vmem>>) attributes {dimension_semantics = [#tpu.dimension_semantics<core_parallel>, #tpu.dimension_semantics<subcore_parallel>], iteration_bounds = array<i64: 2, 16>, scalar_prefetch = 0 : i64, scratch_operands = 6 : i64, tpu.core_type = #tpu.core_type<sc_vector_subcore>, window_params = [{transform_indices = #map}, {transform_indices = #map1}]} {
    %mul3A = arith.constant 2 : i32
    %mul3A_0 = arith.muli %arg1, %mul3A : i32
    %add3A = arith.addi %mul3A_0, %arg0 : i32
    %mul3A_1 = arith.constant 32768 : i32
    %mul3A_2 = arith.muli %add3A, %mul3A_1 : i32
    "tpu.region"() ({
      %run_scoped3A = tpu.sem_alloc : memref<!tpu.dma_semaphore, #tpu.memory_space<semaphore_mem>>
      %dma_start3A = tpu.memref_slice %arg2[%mul3A_2] : memref<1048576xf32, #tpu.memory_space<hbm>> -> memref<32768xf32, #tpu.memory_space<hbm>>
      %dma_start3A_70 = tpu.memref_slice %arg2[%mul3A_2] : memref<1048576xf32, #tpu.memory_space<hbm>> -> memref<32768xf32, #tpu.memory_space<hbm>>
      tpu.enqueue_dma source(%dma_start3A_70 : memref<32768xf32, #tpu.memory_space<hbm>>) target(%arg4 : memref<32768xf32, #tpu.memory_space<vmem>>) target_semaphore(%run_scoped3A : memref<!tpu.dma_semaphore, #tpu.memory_space<semaphore_mem>>)
      %dma_wait3A = tpu.memref_slice %arg2[%mul3A_2] : memref<1048576xf32, #tpu.memory_space<hbm>> -> memref<32768xf32, #tpu.memory_space<hbm>>
      %dma_wait3A_71 = tpu.memref_slice %arg2[%mul3A_2] : memref<1048576xf32, #tpu.memory_space<hbm>> -> memref<32768xf32, #tpu.memory_space<hbm>>
      tpu.wait_dma2 semaphore(%run_scoped3A : memref<!tpu.dma_semaphore, #tpu.memory_space<semaphore_mem>>) src(%dma_wait3A_71 : memref<32768xf32, #tpu.memory_space<hbm>>) dst(%arg4 : memref<32768xf32, #tpu.memory_space<vmem>>)
      tpu.yield
    }) : () -> ()
    %parallel_loop3A = arith.constant 0 : i32
    %parallel_loop3A_3 = arith.constant 128 : i32
    %parallel_loop3A_4 = arith.constant 1 : i32
    scf.for %parallel_loop3A_70 = %parallel_loop3A to %parallel_loop3A_3 step %parallel_loop3A_4  : i32 {
      %parallel_loop3A_71 = arith.constant 0 : i32
      %parallel_loop3A_72 = vector.broadcast %parallel_loop3A_71 : i32 to vector<16xi32>
      %parallel_loop3A_73 = arith.constant 16 : i32
      %parallel_loop3A_74 = arith.muli %parallel_loop3A_70, %parallel_loop3A_73 : i32
      %parallel_loop3A_75 = arith.index_cast %parallel_loop3A_74 : i32 to index
      %parallel_loop3A_76 = tpu.vector_load %arg7[%parallel_loop3A_75] {strides = array<i32>} : memref<2048xi32, #tpu.memory_space<vmem>>, vector<16xi32>,
      tpu.vector_store %arg7[%parallel_loop3A_75], %parallel_loop3A_72 {strides = array<i32>} : memref<2048xi32, #tpu.memory_space<vmem>>, vector<16xi32>,
    } {sc.loop_unroll_factor = 4 : i64, sc.parallel_access}
    %parallel_loop3A_5 = arith.constant 0 : i32
    %parallel_loop3A_6 = arith.constant 2048 : i32
    %parallel_loop3A_7 = arith.constant 1 : i32
    scf.for %parallel_loop3A_70 = %parallel_loop3A_5 to %parallel_loop3A_6 step %parallel_loop3A_7  : i32 {
      %parallel_loop3A_71 = arith.constant 16 : i32
      %parallel_loop3A_72 = arith.muli %parallel_loop3A_70, %parallel_loop3A_71 : i32
      %parallel_loop3A_73 = arith.index_cast %parallel_loop3A_72 : i32 to index
      %parallel_loop3A_74 = tpu.vector_load %arg4[%parallel_loop3A_73] {strides = array<i32>} : memref<32768xf32, #tpu.memory_space<vmem>>, vector<16xf32>,
      %parallel_loop3A_75 = vector.bitcast %parallel_loop3A_74 : vector<16xf32> to vector<16xi32>
      %parallel_loop3A_76 = arith.constant 0 : i32
      %parallel_loop3A_77 = vector.broadcast %parallel_loop3A_76 : i32 to vector<16xi32>
      %parallel_loop3A_78 = arith.cmpi slt, %parallel_loop3A_75, %parallel_loop3A_77 : vector<16xi32>
      %parallel_loop3A_79 = arith.constant -1 : i32
      %parallel_loop3A_80 = arith.constant -2147483648 : i32
      %parallel_loop3A_81 = vector.broadcast %parallel_loop3A_79 : i32 to vector<16xi32>
      %parallel_loop3A_82 = vector.broadcast %parallel_loop3A_80 : i32 to vector<16xi32>
      %parallel_loop3A_83 = arith.select %parallel_loop3A_78, %parallel_loop3A_81, %parallel_loop3A_82 : vector<16xi1>, vector<16xi32>
      %parallel_loop3A_84 = arith.xori %parallel_loop3A_75, %parallel_loop3A_83 : vector<16xi32>
      %parallel_loop3A_85 = arith.constant 0 : i32
      %parallel_loop3A_86 = vector.broadcast %parallel_loop3A_85 : i32 to vector<16xi32>
      %parallel_loop3A_87 = arith.shrui %parallel_loop3A_84, %parallel_loop3A_86 : vector<16xi32>
      %parallel_loop3A_88 = arith.constant 2047 : i32
      %parallel_loop3A_89 = vector.broadcast %parallel_loop3A_88 : i32 to vector<16xi32>
      %parallel_loop3A_90 = arith.andi %parallel_loop3A_87, %parallel_loop3A_89 : vector<16xi32>
      %parallel_loop3A_91 = arith.constant true
      %parallel_loop3A_92 = vector.broadcast %parallel_loop3A_91 : i1 to vector<16xi1>
      %parallel_loop3A_93, %parallel_loop3A_94 = tpu.scan_count mask(%parallel_loop3A_92 : vector<16xi1>) value(%parallel_loop3A_90 : vector<16xi32>) : vector<16xi1>, vector<16xi32>
      tpu.vector_store_idx %arg7[%parallel_loop3A_90], %parallel_loop3A_94 masked %parallel_loop3A_93 {add = true} : memref<2048xi32, #tpu.memory_space<vmem>>[vector<16xi32>], vector<16xi32>, vector<16xi1>
    } {sc.loop_unroll_factor = 8 : i64, sc.parallel_access}
    %scan3A = arith.constant 0 : i32
    %scan3A_8 = arith.constant 0 : i32
    %scan3A_9 = arith.constant 128 : i32
    %scan3A_10 = arith.addi %scan3A_8, %scan3A_9 : i32
    %scan3A_11 = arith.constant 1 : i32
    %scan3A_12 = scf.for %scan3A_70 = %scan3A_8 to %scan3A_10 step %scan3A_11 iter_args(%scan3A_71 = %scan3A) -> (i32)  : i32 {
      %mul3A_72 = arith.constant 16 : i32
      %mul3A_73 = arith.muli %scan3A_70, %mul3A_72 : i32
      %get3A = arith.index_cast %mul3A_73 : i32 to index
      %get3A_74 = tpu.vector_load %arg7[%get3A] {strides = array<i32>} : memref<2048xi32, #tpu.memory_space<vmem>>, vector<16xi32>,
      %broadcast_in_dim3A_75 = arith.constant true
      %broadcast_in_dim3A_76 = vector.broadcast %broadcast_in_dim3A_75 : i1 to vector<16xi1>
      %masked_cumsum3A = tpu.scan <sum>, %get3A_74 masked %broadcast_in_dim3A_76 : vector<16xi32>, vector<16xi1> -> vector<16xi32>
      %add3A_77 = vector.broadcast %scan3A_71 : i32 to vector<16xi32>
      %add3A_78 = arith.addi %add3A_77, %masked_cumsum3A : vector<16xi32>
      %sub3A = arith.subi %add3A_78, %get3A_74 : vector<16xi32>
      %mul3A_79 = arith.constant 16 : i32
      %mul3A_80 = arith.muli %scan3A_70, %mul3A_79 : i32
      %swap3A_81 = arith.index_cast %mul3A_80 : i32 to index
      %swap3A_82 = tpu.vector_load %arg7[%swap3A_81] {strides = array<i32>} : memref<2048xi32, #tpu.memory_space<vmem>>, vector<16xi32>,
      tpu.vector_store %arg7[%swap3A_81], %sub3A {strides = array<i32>} : memref<2048xi32, #tpu.memory_space<vmem>>, vector<16xi32>,
      %reduce_sum3A = arith.constant true
      %reduce_sum3A_83 = vector.broadcast %reduce_sum3A : i1 to vector<16xi1>
      %reduce_sum3A_84 = tpu.scan <sum>, %get3A_74 masked %reduce_sum3A_83 : vector<16xi32>, vector<16xi1> -> vector<16xi32>
      %reduce_sum3A_85 = vector.extract %reduce_sum3A_84[15] : i32 from vector<16xi32>
      %add3A_86 = arith.addi %scan3A_71, %reduce_sum3A_85 : i32
      scf.yield %add3A_86 : i32
    }
    %scan3A_13 = arith.constant 128 : i32
    %parallel_loop3A_14 = arith.constant 0 : i32
    %parallel_loop3A_15 = arith.constant 128 : i32
    %parallel_loop3A_16 = arith.constant 1 : i32
    scf.for %parallel_loop3A_70 = %parallel_loop3A_14 to %parallel_loop3A_15 step %parallel_loop3A_16  : i32 {
      %parallel_loop3A_71 = arith.constant 0 : i32
      %parallel_loop3A_72 = vector.broadcast %parallel_loop3A_71 : i32 to vector<16xi32>
      %parallel_loop3A_73 = arith.constant 16 : i32
      %parallel_loop3A_74 = arith.muli %parallel_loop3A_70, %parallel_loop3A_73 : i32
      %parallel_loop3A_75 = arith.index_cast %parallel_loop3A_74 : i32 to index
      %parallel_loop3A_76 = tpu.vector_load %arg8[%parallel_loop3A_75] {strides = array<i32>} : memref<2048xi32, #tpu.memory_space<vmem>>, vector<16xi32>,
      tpu.vector_store %arg8[%parallel_loop3A_75], %parallel_loop3A_72 {strides = array<i32>} : memref<2048xi32, #tpu.memory_space<vmem>>, vector<16xi32>,
    } {sc.loop_unroll_factor = 4 : i64, sc.parallel_access}
    %scan3A_17 = arith.constant 0 : i32
    %scan3A_18 = arith.constant 0 : i32
    %scan3A_19 = arith.constant 512 : i32
    %scan3A_20 = arith.addi %scan3A_18, %scan3A_19 : i32
    %scan3A_21 = arith.constant 1 : i32
    %scan3A_22 = scf.for %scan3A_70 = %scan3A_18 to %scan3A_20 step %scan3A_21 iter_args(%scan3A_71 = %scan3A_17) -> (i32)  : i32 {
      %mul3A_72 = arith.constant 4 : i32
      %mul3A_73 = arith.muli %scan3A_70, %mul3A_72 : i32
      %add3A_74 = arith.constant 0 : i32
      %add3A_75 = arith.addi %mul3A_73, %add3A_74 : i32
      %mul3A_76 = arith.constant 16 : i32
      %mul3A_77 = arith.muli %add3A_75, %mul3A_76 : i32
      %get3A = arith.index_cast %mul3A_77 : i32 to index
      %get3A_78 = tpu.vector_load %arg4[%get3A] {strides = array<i32>} : memref<32768xf32, #tpu.memory_space<vmem>>, vector<16xf32>,
      %bitcast3A = vector.bitcast %get3A_78 : vector<16xf32> to vector<16xi32>
      %lt3A = arith.constant 0 : i32
      %lt3A_79 = vector.broadcast %lt3A : i32 to vector<16xi32>
      %lt3A_80 = arith.cmpi slt, %bitcast3A, %lt3A_79 : vector<16xi32>
      %jit3A = arith.constant -1 : i32
      %jit3A_81 = arith.constant -2147483648 : i32
      %broadcast_in_dim3A_82 = vector.broadcast %jit3A : i32 to vector<16xi32>
      %broadcast_in_dim3A_83 = vector.broadcast %jit3A_81 : i32 to vector<16xi32>
      %select_n3A = arith.select %lt3A_80, %broadcast_in_dim3A_82, %broadcast_in_dim3A_83 : vector<16xi1>, vector<16xi32>
      %xor3A = arith.xori %bitcast3A, %select_n3A : vector<16xi32>
      %broadcast_in_dim3A_84 = arith.constant 0 : i32
      %broadcast_in_dim3A_85 = vector.broadcast %broadcast_in_dim3A_84 : i32 to vector<16xi32>
      %shift_right_logical3A = arith.shrui %xor3A, %broadcast_in_dim3A_85 : vector<16xi32>
      %and3A = arith.constant 2047 : i32
      %and3A_86 = vector.broadcast %and3A : i32 to vector<16xi32>
      %and3A_87 = arith.andi %shift_right_logical3A, %and3A_86 : vector<16xi32>
      %broadcast_in_dim3A_88 = arith.constant true
      %broadcast_in_dim3A_89 = vector.broadcast %broadcast_in_dim3A_88 : i1 to vector<16xi1>
      %unique3A, %unique3A_90 = tpu.scan_count mask(%broadcast_in_dim3A_89 : vector<16xi1>) value(%and3A_87 : vector<16xi32>) : vector<16xi1>, vector<16xi32>
      %gather3A = tpu.vector_load_idx %arg7[%and3A_87] : memref<2048xi32, #tpu.memory_space<vmem>>[vector<16xi32>], vector<16xi32>,
      %add3A_91 = arith.addi %gather3A, %unique3A_90 : vector<16xi32>
      %sub3A = arith.constant 1 : i32
      %sub3A_92 = vector.broadcast %sub3A : i32 to vector<16xi32>
      %sub3A_93 = arith.subi %add3A_91, %sub3A_92 : vector<16xi32>
      %bitcast3A_94 = vector.bitcast %xor3A : vector<16xi32> to vector<16xf32>
      tpu.vector_store_idx %arg5[%sub3A_93], %bitcast3A_94 : memref<32768xf32, #tpu.memory_space<vmem>>[vector<16xi32>], vector<16xf32>,
      tpu.vector_store_idx %arg7[%and3A_87], %unique3A_90 masked %unique3A {add = true} : memref<2048xi32, #tpu.memory_space<vmem>>[vector<16xi32>], vector<16xi32>, vector<16xi1>
      %broadcast_in_dim3A_95 = arith.constant 11 : i32
      %broadcast_in_dim3A_96 = vector.broadcast %broadcast_in_dim3A_95 : i32 to vector<16xi32>
      %shift_right_logical3A_97 = arith.shrui %xor3A, %broadcast_in_dim3A_96 : vector<16xi32>
      %and3A_98 = arith.constant 2047 : i32
      %and3A_99 = vector.broadcast %and3A_98 : i32 to vector<16xi32>
      %and3A_100 = arith.andi %shift_right_logical3A_97, %and3A_99 : vector<16xi32>
      %broadcast_in_dim3A_101 = arith.constant true
      %broadcast_in_dim3A_102 = vector.broadcast %broadcast_in_dim3A_101 : i1 to vector<16xi1>
      %unique3A_103, %unique3A_104 = tpu.scan_count mask(%broadcast_in_dim3A_102 : vector<16xi1>) value(%and3A_100 : vector<16xi32>) : vector<16xi1>, vector<16xi32>
      tpu.vector_store_idx %arg8[%and3A_100], %unique3A_104 masked %unique3A_103 {add = true} : memref<2048xi32, #tpu.memory_space<vmem>>[vector<16xi32>], vector<16xi32>, vector<16xi1>
      %mul3A_105 = arith.constant 4 : i32
      %mul3A_106 = arith.muli %scan3A_70, %mul3A_105 : i32
      %add3A_107 = arith.constant 1 : i32
      %add3A_108 = arith.addi %mul3A_106, %add3A_107 : i32
      %mul3A_109 = arith.constant 16 : i32
      %mul3A_110 = arith.muli %add3A_108, %mul3A_109 : i32
      %get3A_111 = arith.index_cast %mul3A_110 : i32 to index
      %get3A_112 = tpu.vector_load %arg4[%get3A_111] {strides = array<i32>} : memref<32768xf32, #tpu.memory_space<vmem>>, vector<16xf32>,
      %bitcast3A_113 = vector.bitcast %get3A_112 : vector<16xf32> to vector<16xi32>
      %lt3A_114 = arith.constant 0 : i32
      %lt3A_115 = vector.broadcast %lt3A_114 : i32 to vector<16xi32>
      %lt3A_116 = arith.cmpi slt, %bitcast3A_113, %lt3A_115 : vector<16xi32>
      %jit3A_117 = arith.constant -1 : i32
      %jit3A_118 = arith.constant -2147483648 : i32
      %broadcast_in_dim3A_119 = vector.broadcast %jit3A_117 : i32 to vector<16xi32>
      %broadcast_in_dim3A_120 = vector.broadcast %jit3A_118 : i32 to vector<16xi32>
      %select_n3A_121 = arith.select %lt3A_116, %broadcast_in_dim3A_119, %broadcast_in_dim3A_120 : vector<16xi1>, vector<16xi32>
      %xor3A_122 = arith.xori %bitcast3A_113, %select_n3A_121 : vector<16xi32>
      %broadcast_in_dim3A_123 = arith.constant 0 : i32
      %broadcast_in_dim3A_124 = vector.broadcast %broadcast_in_dim3A_123 : i32 to vector<16xi32>
      %shift_right_logical3A_125 = arith.shrui %xor3A_122, %broadcast_in_dim3A_124 : vector<16xi32>
      %and3A_126 = arith.constant 2047 : i32
      %and3A_127 = vector.broadcast %and3A_126 : i32 to vector<16xi32>
      %and3A_128 = arith.andi %shift_right_logical3A_125, %and3A_127 : vector<16xi32>
      %broadcast_in_dim3A_129 = arith.constant true
      %broadcast_in_dim3A_130 = vector.broadcast %broadcast_in_dim3A_129 : i1 to vector<16xi1>
      %unique3A_131, %unique3A_132 = tpu.scan_count mask(%broadcast_in_dim3A_130 : vector<16xi1>) value(%and3A_128 : vector<16xi32>) : vector<16xi1>, vector<16xi32>
      %gather3A_133 = tpu.vector_load_idx %arg7[%and3A_128] : memref<2048xi32, #tpu.memory_space<vmem>>[vector<16xi32>], vector<16xi32>,
      %add3A_134 = arith.addi %gather3A_133, %unique3A_132 : vector<16xi32>
      %sub3A_135 = arith.constant 1 : i32
      %sub3A_136 = vector.broadcast %sub3A_135 : i32 to vector<16xi32>
      %sub3A_137 = arith.subi %add3A_134, %sub3A_136 : vector<16xi32>
      %bitcast3A_138 = vector.bitcast %xor3A_122 : vector<16xi32> to vector<16xf32>
      tpu.vector_store_idx %arg5[%sub3A_137], %bitcast3A_138 : memref<32768xf32, #tpu.memory_space<vmem>>[vector<16xi32>], vector<16xf32>,
      tpu.vector_store_idx %arg7[%and3A_128], %unique3A_132 masked %unique3A_131 {add = true} : memref<2048xi32, #tpu.memory_space<vmem>>[vector<16xi32>], vector<16xi32>, vector<16xi1>
      %broadcast_in_dim3A_139 = arith.constant 11 : i32
      %broadcast_in_dim3A_140 = vector.broadcast %broadcast_in_dim3A_139 : i32 to vector<16xi32>
      %shift_right_logical3A_141 = arith.shrui %xor3A_122, %broadcast_in_dim3A_140 : vector<16xi32>
      %and3A_142 = arith.constant 2047 : i32
      %and3A_143 = vector.broadcast %and3A_142 : i32 to vector<16xi32>
      %and3A_144 = arith.andi %shift_right_logical3A_141, %and3A_143 : vector<16xi32>
      %broadcast_in_dim3A_145 = arith.constant true
      %broadcast_in_dim3A_146 = vector.broadcast %broadcast_in_dim3A_145 : i1 to vector<16xi1>
      %unique3A_147, %unique3A_148 = tpu.scan_count mask(%broadcast_in_dim3A_146 : vector<16xi1>) value(%and3A_144 : vector<16xi32>) : vector<16xi1>, vector<16xi32>
      tpu.vector_store_idx %arg8[%and3A_144], %unique3A_148 masked %unique3A_147 {add = true} : memref<2048xi32, #tpu.memory_space<vmem>>[vector<16xi32>], vector<16xi32>, vector<16xi1>
      %mul3A_149 = arith.constant 4 : i32
      %mul3A_150 = arith.muli %scan3A_70, %mul3A_149 : i32
      %add3A_151 = arith.constant 2 : i32
      %add3A_152 = arith.addi %mul3A_150, %add3A_151 : i32
      %mul3A_153 = arith.constant 16 : i32
      %mul3A_154 = arith.muli %add3A_152, %mul3A_153 : i32
      %get3A_155 = arith.index_cast %mul3A_154 : i32 to index
      %get3A_156 = tpu.vector_load %arg4[%get3A_155] {strides = array<i32>} : memref<32768xf32, #tpu.memory_space<vmem>>, vector<16xf32>,
      %bitcast3A_157 = vector.bitcast %get3A_156 : vector<16xf32> to vector<16xi32>
      %lt3A_158 = arith.constant 0 : i32
      %lt3A_159 = vector.broadcast %lt3A_158 : i32 to vector<16xi32>
      %lt3A_160 = arith.cmpi slt, %bitcast3A_157, %lt3A_159 : vector<16xi32>
      %jit3A_161 = arith.constant -1 : i32
      %jit3A_162 = arith.constant -2147483648 : i32
      %broadcast_in_dim3A_163 = vector.broadcast %jit3A_161 : i32 to vector<16xi32>
      %broadcast_in_dim3A_164 = vector.broadcast %jit3A_162 : i32 to vector<16xi32>
      %select_n3A_165 = arith.select %lt3A_160, %broadcast_in_dim3A_163, %broadcast_in_dim3A_164 : vector<16xi1>, vector<16xi32>
      %xor3A_166 = arith.xori %bitcast3A_157, %select_n3A_165 : vector<16xi32>
      %broadcast_in_dim3A_167 = arith.constant 0 : i32
      %broadcast_in_dim3A_168 = vector.broadcast %broadcast_in_dim3A_167 : i32 to vector<16xi32>
      %shift_right_logical3A_169 = arith.shrui %xor3A_166, %broadcast_in_dim3A_168 : vector<16xi32>
      %and3A_170 = arith.constant 2047 : i32
      %and3A_171 = vector.broadcast %and3A_170 : i32 to vector<16xi32>
      %and3A_172 = arith.andi %shift_right_logical3A_169, %and3A_171 : vector<16xi32>
      %broadcast_in_dim3A_173 = arith.constant true
      %broadcast_in_dim3A_174 = vector.broadcast %broadcast_in_dim3A_173 : i1 to vector<16xi1>
      %unique3A_175, %unique3A_176 = tpu.scan_count mask(%broadcast_in_dim3A_174 : vector<16xi1>) value(%and3A_172 : vector<16xi32>) : vector<16xi1>, vector<16xi32>
      %gather3A_177 = tpu.vector_load_idx %arg7[%and3A_172] : memref<2048xi32, #tpu.memory_space<vmem>>[vector<16xi32>], vector<16xi32>,
      %add3A_178 = arith.addi %gather3A_177, %unique3A_176 : vector<16xi32>
      %sub3A_179 = arith.constant 1 : i32
      %sub3A_180 = vector.broadcast %sub3A_179 : i32 to vector<16xi32>
      %sub3A_181 = arith.subi %add3A_178, %sub3A_180 : vector<16xi32>
      %bitcast3A_182 = vector.bitcast %xor3A_166 : vector<16xi32> to vector<16xf32>
      tpu.vector_store_idx %arg5[%sub3A_181], %bitcast3A_182 : memref<32768xf32, #tpu.memory_space<vmem>>[vector<16xi32>], vector<16xf32>,
      tpu.vector_store_idx %arg7[%and3A_172], %unique3A_176 masked %unique3A_175 {add = true} : memref<2048xi32, #tpu.memory_space<vmem>>[vector<16xi32>], vector<16xi32>, vector<16xi1>
      %broadcast_in_dim3A_183 = arith.constant 11 : i32
      %broadcast_in_dim3A_184 = vector.broadcast %broadcast_in_dim3A_183 : i32 to vector<16xi32>
      %shift_right_logical3A_185 = arith.shrui %xor3A_166, %broadcast_in_dim3A_184 : vector<16xi32>
      %and3A_186 = arith.constant 2047 : i32
      %and3A_187 = vector.broadcast %and3A_186 : i32 to vector<16xi32>
      %and3A_188 = arith.andi %shift_right_logical3A_185, %and3A_187 : vector<16xi32>
      %broadcast_in_dim3A_189 = arith.constant true
      %broadcast_in_dim3A_190 = vector.broadcast %broadcast_in_dim3A_189 : i1 to vector<16xi1>
      %unique3A_191, %unique3A_192 = tpu.scan_count mask(%broadcast_in_dim3A_190 : vector<16xi1>) value(%and3A_188 : vector<16xi32>) : vector<16xi1>, vector<16xi32>
      tpu.vector_store_idx %arg8[%and3A_188], %unique3A_192 masked %unique3A_191 {add = true} : memref<2048xi32, #tpu.memory_space<vmem>>[vector<16xi32>], vector<16xi32>, vector<16xi1>
      %mul3A_193 = arith.constant 4 : i32
      %mul3A_194 = arith.muli %scan3A_70, %mul3A_193 : i32
      %add3A_195 = arith.constant 3 : i32
      %add3A_196 = arith.addi %mul3A_194, %add3A_195 : i32
      %mul3A_197 = arith.constant 16 : i32
      %mul3A_198 = arith.muli %add3A_196, %mul3A_197 : i32
      %get3A_199 = arith.index_cast %mul3A_198 : i32 to index
      %get3A_200 = tpu.vector_load %arg4[%get3A_199] {strides = array<i32>} : memref<32768xf32, #tpu.memory_space<vmem>>, vector<16xf32>,
      %bitcast3A_201 = vector.bitcast %get3A_200 : vector<16xf32> to vector<16xi32>
      %lt3A_202 = arith.constant 0 : i32
      %lt3A_203 = vector.broadcast %lt3A_202 : i32 to vector<16xi32>
      %lt3A_204 = arith.cmpi slt, %bitcast3A_201, %lt3A_203 : vector<16xi32>
      %jit3A_205 = arith.constant -1 : i32
      %jit3A_206 = arith.constant -2147483648 : i32
      %broadcast_in_dim3A_207 = vector.broadcast %jit3A_205 : i32 to vector<16xi32>
      %broadcast_in_dim3A_208 = vector.broadcast %jit3A_206 : i32 to vector<16xi32>
      %select_n3A_209 = arith.select %lt3A_204, %broadcast_in_dim3A_207, %broadcast_in_dim3A_208 : vector<16xi1>, vector<16xi32>
      %xor3A_210 = arith.xori %bitcast3A_201, %select_n3A_209 : vector<16xi32>
      %broadcast_in_dim3A_211 = arith.constant 0 : i32
      %broadcast_in_dim3A_212 = vector.broadcast %broadcast_in_dim3A_211 : i32 to vector<16xi32>
      %shift_right_logical3A_213 = arith.shrui %xor3A_210, %broadcast_in_dim3A_212 : vector<16xi32>
      %and3A_214 = arith.constant 2047 : i32
      %and3A_215 = vector.broadcast %and3A_214 : i32 to vector<16xi32>
      %and3A_216 = arith.andi %shift_right_logical3A_213, %and3A_215 : vector<16xi32>
      %broadcast_in_dim3A_217 = arith.constant true
      %broadcast_in_dim3A_218 = vector.broadcast %broadcast_in_dim3A_217 : i1 to vector<16xi1>
      %unique3A_219, %unique3A_220 = tpu.scan_count mask(%broadcast_in_dim3A_218 : vector<16xi1>) value(%and3A_216 : vector<16xi32>) : vector<16xi1>, vector<16xi32>
      %gather3A_221 = tpu.vector_load_idx %arg7[%and3A_216] : memref<2048xi32, #tpu.memory_space<vmem>>[vector<16xi32>], vector<16xi32>,
      %add3A_222 = arith.addi %gather3A_221, %unique3A_220 : vector<16xi32>
      %sub3A_223 = arith.constant 1 : i32
      %sub3A_224 = vector.broadcast %sub3A_223 : i32 to vector<16xi32>
      %sub3A_225 = arith.subi %add3A_222, %sub3A_224 : vector<16xi32>
      %bitcast3A_226 = vector.bitcast %xor3A_210 : vector<16xi32> to vector<16xf32>
      tpu.vector_store_idx %arg5[%sub3A_225], %bitcast3A_226 : memref<32768xf32, #tpu.memory_space<vmem>>[vector<16xi32>], vector<16xf32>,
      tpu.vector_store_idx %arg7[%and3A_216], %unique3A_220 masked %unique3A_219 {add = true} : memref<2048xi32, #tpu.memory_space<vmem>>[vector<16xi32>], vector<16xi32>, vector<16xi1>
      %broadcast_in_dim3A_227 = arith.constant 11 : i32
      %broadcast_in_dim3A_228 = vector.broadcast %broadcast_in_dim3A_227 : i32 to vector<16xi32>
      %shift_right_logical3A_229 = arith.shrui %xor3A_210, %broadcast_in_dim3A_228 : vector<16xi32>
      %and3A_230 = arith.constant 2047 : i32
      %and3A_231 = vector.broadcast %and3A_230 : i32 to vector<16xi32>
      %and3A_232 = arith.andi %shift_right_logical3A_229, %and3A_231 : vector<16xi32>
      %broadcast_in_dim3A_233 = arith.constant true
      %broadcast_in_dim3A_234 = vector.broadcast %broadcast_in_dim3A_233 : i1 to vector<16xi1>
      %unique3A_235, %unique3A_236 = tpu.scan_count mask(%broadcast_in_dim3A_234 : vector<16xi1>) value(%and3A_232 : vector<16xi32>) : vector<16xi1>, vector<16xi32>
      tpu.vector_store_idx %arg8[%and3A_232], %unique3A_236 masked %unique3A_235 {add = true} : memref<2048xi32, #tpu.memory_space<vmem>>[vector<16xi32>], vector<16xi32>, vector<16xi1>
      %scan3A_237 = arith.constant 0 : i32
      scf.yield %scan3A_237 : i32
    }
    %scan3A_23 = arith.constant 512 : i32
    %scan3A_24 = arith.constant 0 : i32
    %scan3A_25 = arith.constant 0 : i32
    %scan3A_26 = arith.constant 128 : i32
    %scan3A_27 = arith.addi %scan3A_25, %scan3A_26 : i32
    %scan3A_28 = arith.constant 1 : i32
    %scan3A_29 = scf.for %scan3A_70 = %scan3A_25 to %scan3A_27 step %scan3A_28 iter_args(%scan3A_71 = %scan3A_24) -> (i32)  : i32 {
      %mul3A_72 = arith.constant 16 : i32
      %mul3A_73 = arith.muli %scan3A_70, %mul3A_72 : i32
      %get3A = arith.index_cast %mul3A_73 : i32 to index
      %get3A_74 = tpu.vector_load %arg8[%get3A] {strides = array<i32>} : memref<2048xi32, #tpu.memory_space<vmem>>, vector<16xi32>,
      %broadcast_in_dim3A_75 = arith.constant true
      %broadcast_in_dim3A_76 = vector.broadcast %broadcast_in_dim3A_75 : i1 to vector<16xi1>
      %masked_cumsum3A = tpu.scan <sum>, %get3A_74 masked %broadcast_in_dim3A_76 : vector<16xi32>, vector<16xi1> -> vector<16xi32>
      %add3A_77 = vector.broadcast %scan3A_71 : i32 to vector<16xi32>
      %add3A_78 = arith.addi %add3A_77, %masked_cumsum3A : vector<16xi32>
      %sub3A = arith.subi %add3A_78, %get3A_74 : vector<16xi32>
      %mul3A_79 = arith.constant 16 : i32
      %mul3A_80 = arith.muli %scan3A_70, %mul3A_79 : i32
      %swap3A_81 = arith.index_cast %mul3A_80 : i32 to index
      %swap3A_82 = tpu.vector_load %arg8[%swap3A_81] {strides = array<i32>} : memref<2048xi32, #tpu.memory_space<vmem>>, vector<16xi32>,
      tpu.vector_store %arg8[%swap3A_81], %sub3A {strides = array<i32>} : memref<2048xi32, #tpu.memory_space<vmem>>, vector<16xi32>,
      %reduce_sum3A = arith.constant true
      %reduce_sum3A_83 = vector.broadcast %reduce_sum3A : i1 to vector<16xi1>
      %reduce_sum3A_84 = tpu.scan <sum>, %get3A_74 masked %reduce_sum3A_83 : vector<16xi32>, vector<16xi1> -> vector<16xi32>
      %reduce_sum3A_85 = vector.extract %reduce_sum3A_84[15] : i32 from vector<16xi32>
      %add3A_86 = arith.addi %scan3A_71, %reduce_sum3A_85 : i32
      scf.yield %add3A_86 : i32
    }
    %scan3A_30 = arith.constant 128 : i32
    %parallel_loop3A_31 = arith.constant 0 : i32
    %parallel_loop3A_32 = arith.constant 128 : i32
    %parallel_loop3A_33 = arith.constant 1 : i32
    scf.for %parallel_loop3A_70 = %parallel_loop3A_31 to %parallel_loop3A_32 step %parallel_loop3A_33  : i32 {
      %parallel_loop3A_71 = arith.constant 0 : i32
      %parallel_loop3A_72 = vector.broadcast %parallel_loop3A_71 : i32 to vector<16xi32>
      %parallel_loop3A_73 = arith.constant 16 : i32
      %parallel_loop3A_74 = arith.muli %parallel_loop3A_70, %parallel_loop3A_73 : i32
      %parallel_loop3A_75 = arith.index_cast %parallel_loop3A_74 : i32 to index
      %parallel_loop3A_76 = tpu.vector_load %arg7[%parallel_loop3A_75] {strides = array<i32>} : memref<2048xi32, #tpu.memory_space<vmem>>, vector<16xi32>,
      tpu.vector_store %arg7[%parallel_loop3A_75], %parallel_loop3A_72 {strides = array<i32>} : memref<2048xi32, #tpu.memory_space<vmem>>, vector<16xi32>,
    } {sc.loop_unroll_factor = 4 : i64, sc.parallel_access}
    %scan3A_34 = arith.constant 0 : i32
    %scan3A_35 = arith.constant 0 : i32
    %scan3A_36 = arith.constant 512 : i32
    %scan3A_37 = arith.addi %scan3A_35, %scan3A_36 : i32
    %scan3A_38 = arith.constant 1 : i32
    %scan3A_39 = scf.for %scan3A_70 = %scan3A_35 to %scan3A_37 step %scan3A_38 iter_args(%scan3A_71 = %scan3A_34) -> (i32)  : i32 {
      %mul3A_72 = arith.constant 4 : i32
      %mul3A_73 = arith.muli %scan3A_70, %mul3A_72 : i32
      %add3A_74 = arith.constant 0 : i32
      %add3A_75 = arith.addi %mul3A_73, %add3A_74 : i32
      %mul3A_76 = arith.constant 16 : i32
      %mul3A_77 = arith.muli %add3A_75, %mul3A_76 : i32
      %get3A = arith.index_cast %mul3A_77 : i32 to index
      %get3A_78 = tpu.vector_load %arg5[%get3A] {strides = array<i32>} : memref<32768xf32, #tpu.memory_space<vmem>>, vector<16xf32>,
      %bitcast3A = vector.bitcast %get3A_78 : vector<16xf32> to vector<16xi32>
      %broadcast_in_dim3A_79 = arith.constant 11 : i32
      %broadcast_in_dim3A_80 = vector.broadcast %broadcast_in_dim3A_79 : i32 to vector<16xi32>
      %shift_right_logical3A = arith.shrui %bitcast3A, %broadcast_in_dim3A_80 : vector<16xi32>
      %and3A = arith.constant 2047 : i32
      %and3A_81 = vector.broadcast %and3A : i32 to vector<16xi32>
      %and3A_82 = arith.andi %shift_right_logical3A, %and3A_81 : vector<16xi32>
      %broadcast_in_dim3A_83 = arith.constant true
      %broadcast_in_dim3A_84 = vector.broadcast %broadcast_in_dim3A_83 : i1 to vector<16xi1>
      %unique3A, %unique3A_85 = tpu.scan_count mask(%broadcast_in_dim3A_84 : vector<16xi1>) value(%and3A_82 : vector<16xi32>) : vector<16xi1>, vector<16xi32>
      %gather3A = tpu.vector_load_idx %arg8[%and3A_82] : memref<2048xi32, #tpu.memory_space<vmem>>[vector<16xi32>], vector<16xi32>,
      %add3A_86 = arith.addi %gather3A, %unique3A_85 : vector<16xi32>
      %sub3A = arith.constant 1 : i32
      %sub3A_87 = vector.broadcast %sub3A : i32 to vector<16xi32>
      %sub3A_88 = arith.subi %add3A_86, %sub3A_87 : vector<16xi32>
      %bitcast3A_89 = vector.bitcast %bitcast3A : vector<16xi32> to vector<16xf32>
      tpu.vector_store_idx %arg4[%sub3A_88], %bitcast3A_89 : memref<32768xf32, #tpu.memory_space<vmem>>[vector<16xi32>], vector<16xf32>,
      tpu.vector_store_idx %arg8[%and3A_82], %unique3A_85 masked %unique3A {add = true} : memref<2048xi32, #tpu.memory_space<vmem>>[vector<16xi32>], vector<16xi32>, vector<16xi1>
      %broadcast_in_dim3A_90 = arith.constant 22 : i32
      %broadcast_in_dim3A_91 = vector.broadcast %broadcast_in_dim3A_90 : i32 to vector<16xi32>
      %shift_right_logical3A_92 = arith.shrui %bitcast3A, %broadcast_in_dim3A_91 : vector<16xi32>
      %and3A_93 = arith.constant 1023 : i32
      %and3A_94 = vector.broadcast %and3A_93 : i32 to vector<16xi32>
      %and3A_95 = arith.andi %shift_right_logical3A_92, %and3A_94 : vector<16xi32>
      %broadcast_in_dim3A_96 = arith.constant true
      %broadcast_in_dim3A_97 = vector.broadcast %broadcast_in_dim3A_96 : i1 to vector<16xi1>
      %unique3A_98, %unique3A_99 = tpu.scan_count mask(%broadcast_in_dim3A_97 : vector<16xi1>) value(%and3A_95 : vector<16xi32>) : vector<16xi1>, vector<16xi32>
      tpu.vector_store_idx %arg7[%and3A_95], %unique3A_99 masked %unique3A_98 {add = true} : memref<2048xi32, #tpu.memory_space<vmem>>[vector<16xi32>], vector<16xi32>, vector<16xi1>
      %mul3A_100 = arith.constant 4 : i32
      %mul3A_101 = arith.muli %scan3A_70, %mul3A_100 : i32
      %add3A_102 = arith.constant 1 : i32
      %add3A_103 = arith.addi %mul3A_101, %add3A_102 : i32
      %mul3A_104 = arith.constant 16 : i32
      %mul3A_105 = arith.muli %add3A_103, %mul3A_104 : i32
      %get3A_106 = arith.index_cast %mul3A_105 : i32 to index
      %get3A_107 = tpu.vector_load %arg5[%get3A_106] {strides = array<i32>} : memref<32768xf32, #tpu.memory_space<vmem>>, vector<16xf32>,
      %bitcast3A_108 = vector.bitcast %get3A_107 : vector<16xf32> to vector<16xi32>
      %broadcast_in_dim3A_109 = arith.constant 11 : i32
      %broadcast_in_dim3A_110 = vector.broadcast %broadcast_in_dim3A_109 : i32 to vector<16xi32>
      %shift_right_logical3A_111 = arith.shrui %bitcast3A_108, %broadcast_in_dim3A_110 : vector<16xi32>
      %and3A_112 = arith.constant 2047 : i32
      %and3A_113 = vector.broadcast %and3A_112 : i32 to vector<16xi32>
      %and3A_114 = arith.andi %shift_right_logical3A_111, %and3A_113 : vector<16xi32>
      %broadcast_in_dim3A_115 = arith.constant true
      %broadcast_in_dim3A_116 = vector.broadcast %broadcast_in_dim3A_115 : i1 to vector<16xi1>
      %unique3A_117, %unique3A_118 = tpu.scan_count mask(%broadcast_in_dim3A_116 : vector<16xi1>) value(%and3A_114 : vector<16xi32>) : vector<16xi1>, vector<16xi32>
      %gather3A_119 = tpu.vector_load_idx %arg8[%and3A_114] : memref<2048xi32, #tpu.memory_space<vmem>>[vector<16xi32>], vector<16xi32>,
      %add3A_120 = arith.addi %gather3A_119, %unique3A_118 : vector<16xi32>
      %sub3A_121 = arith.constant 1 : i32
      %sub3A_122 = vector.broadcast %sub3A_121 : i32 to vector<16xi32>
      %sub3A_123 = arith.subi %add3A_120, %sub3A_122 : vector<16xi32>
      %bitcast3A_124 = vector.bitcast %bitcast3A_108 : vector<16xi32> to vector<16xf32>
      tpu.vector_store_idx %arg4[%sub3A_123], %bitcast3A_124 : memref<32768xf32, #tpu.memory_space<vmem>>[vector<16xi32>], vector<16xf32>,
      tpu.vector_store_idx %arg8[%and3A_114], %unique3A_118 masked %unique3A_117 {add = true} : memref<2048xi32, #tpu.memory_space<vmem>>[vector<16xi32>], vector<16xi32>, vector<16xi1>
      %broadcast_in_dim3A_125 = arith.constant 22 : i32
      %broadcast_in_dim3A_126 = vector.broadcast %broadcast_in_dim3A_125 : i32 to vector<16xi32>
      %shift_right_logical3A_127 = arith.shrui %bitcast3A_108, %broadcast_in_dim3A_126 : vector<16xi32>
      %and3A_128 = arith.constant 1023 : i32
      %and3A_129 = vector.broadcast %and3A_128 : i32 to vector<16xi32>
      %and3A_130 = arith.andi %shift_right_logical3A_127, %and3A_129 : vector<16xi32>
      %broadcast_in_dim3A_131 = arith.constant true
      %broadcast_in_dim3A_132 = vector.broadcast %broadcast_in_dim3A_131 : i1 to vector<16xi1>
      %unique3A_133, %unique3A_134 = tpu.scan_count mask(%broadcast_in_dim3A_132 : vector<16xi1>) value(%and3A_130 : vector<16xi32>) : vector<16xi1>, vector<16xi32>
      tpu.vector_store_idx %arg7[%and3A_130], %unique3A_134 masked %unique3A_133 {add = true} : memref<2048xi32, #tpu.memory_space<vmem>>[vector<16xi32>], vector<16xi32>, vector<16xi1>
      %mul3A_135 = arith.constant 4 : i32
      %mul3A_136 = arith.muli %scan3A_70, %mul3A_135 : i32
      %add3A_137 = arith.constant 2 : i32
      %add3A_138 = arith.addi %mul3A_136, %add3A_137 : i32
      %mul3A_139 = arith.constant 16 : i32
      %mul3A_140 = arith.muli %add3A_138, %mul3A_139 : i32
      %get3A_141 = arith.index_cast %mul3A_140 : i32 to index
      %get3A_142 = tpu.vector_load %arg5[%get3A_141] {strides = array<i32>} : memref<32768xf32, #tpu.memory_space<vmem>>, vector<16xf32>,
      %bitcast3A_143 = vector.bitcast %get3A_142 : vector<16xf32> to vector<16xi32>
      %broadcast_in_dim3A_144 = arith.constant 11 : i32
      %broadcast_in_dim3A_145 = vector.broadcast %broadcast_in_dim3A_144 : i32 to vector<16xi32>
      %shift_right_logical3A_146 = arith.shrui %bitcast3A_143, %broadcast_in_dim3A_145 : vector<16xi32>
      %and3A_147 = arith.constant 2047 : i32
      %and3A_148 = vector.broadcast %and3A_147 : i32 to vector<16xi32>
      %and3A_149 = arith.andi %shift_right_logical3A_146, %and3A_148 : vector<16xi32>
      %broadcast_in_dim3A_150 = arith.constant true
      %broadcast_in_dim3A_151 = vector.broadcast %broadcast_in_dim3A_150 : i1 to vector<16xi1>
      %unique3A_152, %unique3A_153 = tpu.scan_count mask(%broadcast_in_dim3A_151 : vector<16xi1>) value(%and3A_149 : vector<16xi32>) : vector<16xi1>, vector<16xi32>
      %gather3A_154 = tpu.vector_load_idx %arg8[%and3A_149] : memref<2048xi32, #tpu.memory_space<vmem>>[vector<16xi32>], vector<16xi32>,
      %add3A_155 = arith.addi %gather3A_154, %unique3A_153 : vector<16xi32>
      %sub3A_156 = arith.constant 1 : i32
      %sub3A_157 = vector.broadcast %sub3A_156 : i32 to vector<16xi32>
      %sub3A_158 = arith.subi %add3A_155, %sub3A_157 : vector<16xi32>
      %bitcast3A_159 = vector.bitcast %bitcast3A_143 : vector<16xi32> to vector<16xf32>
      tpu.vector_store_idx %arg4[%sub3A_158], %bitcast3A_159 : memref<32768xf32, #tpu.memory_space<vmem>>[vector<16xi32>], vector<16xf32>,
      tpu.vector_store_idx %arg8[%and3A_149], %unique3A_153 masked %unique3A_152 {add = true} : memref<2048xi32, #tpu.memory_space<vmem>>[vector<16xi32>], vector<16xi32>, vector<16xi1>
      %broadcast_in_dim3A_160 = arith.constant 22 : i32
      %broadcast_in_dim3A_161 = vector.broadcast %broadcast_in_dim3A_160 : i32 to vector<16xi32>
      %shift_right_logical3A_162 = arith.shrui %bitcast3A_143, %broadcast_in_dim3A_161 : vector<16xi32>
      %and3A_163 = arith.constant 1023 : i32
      %and3A_164 = vector.broadcast %and3A_163 : i32 to vector<16xi32>
      %and3A_165 = arith.andi %shift_right_logical3A_162, %and3A_164 : vector<16xi32>
      %broadcast_in_dim3A_166 = arith.constant true
      %broadcast_in_dim3A_167 = vector.broadcast %broadcast_in_dim3A_166 : i1 to vector<16xi1>
      %unique3A_168, %unique3A_169 = tpu.scan_count mask(%broadcast_in_dim3A_167 : vector<16xi1>) value(%and3A_165 : vector<16xi32>) : vector<16xi1>, vector<16xi32>
      tpu.vector_store_idx %arg7[%and3A_165], %unique3A_169 masked %unique3A_168 {add = true} : memref<2048xi32, #tpu.memory_space<vmem>>[vector<16xi32>], vector<16xi32>, vector<16xi1>
      %mul3A_170 = arith.constant 4 : i32
      %mul3A_171 = arith.muli %scan3A_70, %mul3A_170 : i32
      %add3A_172 = arith.constant 3 : i32
      %add3A_173 = arith.addi %mul3A_171, %add3A_172 : i32
      %mul3A_174 = arith.constant 16 : i32
      %mul3A_175 = arith.muli %add3A_173, %mul3A_174 : i32
      %get3A_176 = arith.index_cast %mul3A_175 : i32 to index
      %get3A_177 = tpu.vector_load %arg5[%get3A_176] {strides = array<i32>} : memref<32768xf32, #tpu.memory_space<vmem>>, vector<16xf32>,
      %bitcast3A_178 = vector.bitcast %get3A_177 : vector<16xf32> to vector<16xi32>
      %broadcast_in_dim3A_179 = arith.constant 11 : i32
      %broadcast_in_dim3A_180 = vector.broadcast %broadcast_in_dim3A_179 : i32 to vector<16xi32>
      %shift_right_logical3A_181 = arith.shrui %bitcast3A_178, %broadcast_in_dim3A_180 : vector<16xi32>
      %and3A_182 = arith.constant 2047 : i32
      %and3A_183 = vector.broadcast %and3A_182 : i32 to vector<16xi32>
      %and3A_184 = arith.andi %shift_right_logical3A_181, %and3A_183 : vector<16xi32>
      %broadcast_in_dim3A_185 = arith.constant true
      %broadcast_in_dim3A_186 = vector.broadcast %broadcast_in_dim3A_185 : i1 to vector<16xi1>
      %unique3A_187, %unique3A_188 = tpu.scan_count mask(%broadcast_in_dim3A_186 : vector<16xi1>) value(%and3A_184 : vector<16xi32>) : vector<16xi1>, vector<16xi32>
      %gather3A_189 = tpu.vector_load_idx %arg8[%and3A_184] : memref<2048xi32, #tpu.memory_space<vmem>>[vector<16xi32>], vector<16xi32>,
      %add3A_190 = arith.addi %gather3A_189, %unique3A_188 : vector<16xi32>
      %sub3A_191 = arith.constant 1 : i32
      %sub3A_192 = vector.broadcast %sub3A_191 : i32 to vector<16xi32>
      %sub3A_193 = arith.subi %add3A_190, %sub3A_192 : vector<16xi32>
      %bitcast3A_194 = vector.bitcast %bitcast3A_178 : vector<16xi32> to vector<16xf32>
      tpu.vector_store_idx %arg4[%sub3A_193], %bitcast3A_194 : memref<32768xf32, #tpu.memory_space<vmem>>[vector<16xi32>], vector<16xf32>,
      tpu.vector_store_idx %arg8[%and3A_184], %unique3A_188 masked %unique3A_187 {add = true} : memref<2048xi32, #tpu.memory_space<vmem>>[vector<16xi32>], vector<16xi32>, vector<16xi1>
      %broadcast_in_dim3A_195 = arith.constant 22 : i32
      %broadcast_in_dim3A_196 = vector.broadcast %broadcast_in_dim3A_195 : i32 to vector<16xi32>
      %shift_right_logical3A_197 = arith.shrui %bitcast3A_178, %broadcast_in_dim3A_196 : vector<16xi32>
      %and3A_198 = arith.constant 1023 : i32
      %and3A_199 = vector.broadcast %and3A_198 : i32 to vector<16xi32>
      %and3A_200 = arith.andi %shift_right_logical3A_197, %and3A_199 : vector<16xi32>
      %broadcast_in_dim3A_201 = arith.constant true
      %broadcast_in_dim3A_202 = vector.broadcast %broadcast_in_dim3A_201 : i1 to vector<16xi1>
      %unique3A_203, %unique3A_204 = tpu.scan_count mask(%broadcast_in_dim3A_202 : vector<16xi1>) value(%and3A_200 : vector<16xi32>) : vector<16xi1>, vector<16xi32>
      tpu.vector_store_idx %arg7[%and3A_200], %unique3A_204 masked %unique3A_203 {add = true} : memref<2048xi32, #tpu.memory_space<vmem>>[vector<16xi32>], vector<16xi32>, vector<16xi1>
      %scan3A_205 = arith.constant 0 : i32
      scf.yield %scan3A_205 : i32
    }
    %scan3A_40 = arith.constant 512 : i32
    %scan3A_41 = arith.constant 0 : i32
    %scan3A_42 = arith.constant 0 : i32
    %scan3A_43 = arith.constant 128 : i32
    %scan3A_44 = arith.addi %scan3A_42, %scan3A_43 : i32
    %scan3A_45 = arith.constant 1 : i32
    %scan3A_46 = scf.for %scan3A_70 = %scan3A_42 to %scan3A_44 step %scan3A_45 iter_args(%scan3A_71 = %scan3A_41) -> (i32)  : i32 {
      %mul3A_72 = arith.constant 16 : i32
      %mul3A_73 = arith.muli %scan3A_70, %mul3A_72 : i32
      %get3A = arith.index_cast %mul3A_73 : i32 to index
      %get3A_74 = tpu.vector_load %arg7[%get3A] {strides = array<i32>} : memref<2048xi32, #tpu.memory_space<vmem>>, vector<16xi32>,
      %broadcast_in_dim3A_75 = arith.constant true
      %broadcast_in_dim3A_76 = vector.broadcast %broadcast_in_dim3A_75 : i1 to vector<16xi1>
      %masked_cumsum3A = tpu.scan <sum>, %get3A_74 masked %broadcast_in_dim3A_76 : vector<16xi32>, vector<16xi1> -> vector<16xi32>
      %add3A_77 = vector.broadcast %scan3A_71 : i32 to vector<16xi32>
      %add3A_78 = arith.addi %add3A_77, %masked_cumsum3A : vector<16xi32>
      %sub3A = arith.subi %add3A_78, %get3A_74 : vector<16xi32>
      %mul3A_79 = arith.constant 16 : i32
      %mul3A_80 = arith.muli %scan3A_70, %mul3A_79 : i32
      %swap3A_81 = arith.index_cast %mul3A_80 : i32 to index
      %swap3A_82 = tpu.vector_load %arg7[%swap3A_81] {strides = array<i32>} : memref<2048xi32, #tpu.memory_space<vmem>>, vector<16xi32>,
      tpu.vector_store %arg7[%swap3A_81], %sub3A {strides = array<i32>} : memref<2048xi32, #tpu.memory_space<vmem>>, vector<16xi32>,
      %reduce_sum3A = arith.constant true
      %reduce_sum3A_83 = vector.broadcast %reduce_sum3A : i1 to vector<16xi1>
      %reduce_sum3A_84 = tpu.scan <sum>, %get3A_74 masked %reduce_sum3A_83 : vector<16xi32>, vector<16xi1> -> vector<16xi32>
      %reduce_sum3A_85 = vector.extract %reduce_sum3A_84[15] : i32 from vector<16xi32>
      %add3A_86 = arith.addi %scan3A_71, %reduce_sum3A_85 : i32
      scf.yield %add3A_86 : i32
    }
    %scan3A_47 = arith.constant 128 : i32
    %scan3A_48 = arith.constant 0 : i32
    %scan3A_49 = arith.constant 0 : i32
    %scan3A_50 = arith.constant 512 : i32
    %scan3A_51 = arith.addi %scan3A_49, %scan3A_50 : i32
    %scan3A_52 = arith.constant 1 : i32
    %scan3A_53 = scf.for %scan3A_70 = %scan3A_49 to %scan3A_51 step %scan3A_52 iter_args(%scan3A_71 = %scan3A_48) -> (i32)  : i32 {
      %mul3A_72 = arith.constant 4 : i32
      %mul3A_73 = arith.muli %scan3A_70, %mul3A_72 : i32
      %add3A_74 = arith.constant 0 : i32
      %add3A_75 = arith.addi %mul3A_73, %add3A_74 : i32
      %mul3A_76 = arith.constant 16 : i32
      %mul3A_77 = arith.muli %add3A_75, %mul3A_76 : i32
      %get3A = arith.index_cast %mul3A_77 : i32 to index
      %get3A_78 = tpu.vector_load %arg4[%get3A] {strides = array<i32>} : memref<32768xf32, #tpu.memory_space<vmem>>, vector<16xf32>,
      %bitcast3A = vector.bitcast %get3A_78 : vector<16xf32> to vector<16xi32>
      %broadcast_in_dim3A_79 = arith.constant 22 : i32
      %broadcast_in_dim3A_80 = vector.broadcast %broadcast_in_dim3A_79 : i32 to vector<16xi32>
      %shift_right_logical3A = arith.shrui %bitcast3A, %broadcast_in_dim3A_80 : vector<16xi32>
      %and3A = arith.constant 1023 : i32
      %and3A_81 = vector.broadcast %and3A : i32 to vector<16xi32>
      %and3A_82 = arith.andi %shift_right_logical3A, %and3A_81 : vector<16xi32>
      %broadcast_in_dim3A_83 = arith.constant true
      %broadcast_in_dim3A_84 = vector.broadcast %broadcast_in_dim3A_83 : i1 to vector<16xi1>
      %unique3A, %unique3A_85 = tpu.scan_count mask(%broadcast_in_dim3A_84 : vector<16xi1>) value(%and3A_82 : vector<16xi32>) : vector<16xi1>, vector<16xi32>
      %gather3A = tpu.vector_load_idx %arg7[%and3A_82] : memref<2048xi32, #tpu.memory_space<vmem>>[vector<16xi32>], vector<16xi32>,
      %add3A_86 = arith.addi %gather3A, %unique3A_85 : vector<16xi32>
      %sub3A = arith.constant 1 : i32
      %sub3A_87 = vector.broadcast %sub3A : i32 to vector<16xi32>
      %sub3A_88 = arith.subi %add3A_86, %sub3A_87 : vector<16xi32>
      %bitcast3A_89 = vector.bitcast %bitcast3A : vector<16xi32> to vector<16xf32>
      tpu.vector_store_idx %arg5[%sub3A_88], %bitcast3A_89 : memref<32768xf32, #tpu.memory_space<vmem>>[vector<16xi32>], vector<16xf32>,
      tpu.vector_store_idx %arg7[%and3A_82], %unique3A_85 masked %unique3A {add = true} : memref<2048xi32, #tpu.memory_space<vmem>>[vector<16xi32>], vector<16xi32>, vector<16xi1>
      %add3A_90 = arith.constant 1 : i32
      %add3A_91 = vector.broadcast %add3A_90 : i32 to vector<16xi32>
      %add3A_92 = arith.addi %sub3A_88, %add3A_91 : vector<16xi32>
      %and3A_93 = arith.constant 32767 : i32
      %and3A_94 = vector.broadcast %and3A_93 : i32 to vector<16xi32>
      %and3A_95 = arith.andi %add3A_92, %and3A_94 : vector<16xi32>
      %bitcast3A_96 = vector.bitcast %bitcast3A : vector<16xi32> to vector<16xf32>
      tpu.vector_store_idx %arg6[%and3A_95], %bitcast3A_96 : memref<32768xf32, #tpu.memory_space<vmem>>[vector<16xi32>], vector<16xf32>,
      %mul3A_97 = arith.constant 4 : i32
      %mul3A_98 = arith.muli %scan3A_70, %mul3A_97 : i32
      %add3A_99 = arith.constant 1 : i32
      %add3A_100 = arith.addi %mul3A_98, %add3A_99 : i32
      %mul3A_101 = arith.constant 16 : i32
      %mul3A_102 = arith.muli %add3A_100, %mul3A_101 : i32
      %get3A_103 = arith.index_cast %mul3A_102 : i32 to index
      %get3A_104 = tpu.vector_load %arg4[%get3A_103] {strides = array<i32>} : memref<32768xf32, #tpu.memory_space<vmem>>, vector<16xf32>,
      %bitcast3A_105 = vector.bitcast %get3A_104 : vector<16xf32> to vector<16xi32>
      %broadcast_in_dim3A_106 = arith.constant 22 : i32
      %broadcast_in_dim3A_107 = vector.broadcast %broadcast_in_dim3A_106 : i32 to vector<16xi32>
      %shift_right_logical3A_108 = arith.shrui %bitcast3A_105, %broadcast_in_dim3A_107 : vector<16xi32>
      %and3A_109 = arith.constant 1023 : i32
      %and3A_110 = vector.broadcast %and3A_109 : i32 to vector<16xi32>
      %and3A_111 = arith.andi %shift_right_logical3A_108, %and3A_110 : vector<16xi32>
      %broadcast_in_dim3A_112 = arith.constant true
      %broadcast_in_dim3A_113 = vector.broadcast %broadcast_in_dim3A_112 : i1 to vector<16xi1>
      %unique3A_114, %unique3A_115 = tpu.scan_count mask(%broadcast_in_dim3A_113 : vector<16xi1>) value(%and3A_111 : vector<16xi32>) : vector<16xi1>, vector<16xi32>
      %gather3A_116 = tpu.vector_load_idx %arg7[%and3A_111] : memref<2048xi32, #tpu.memory_space<vmem>>[vector<16xi32>], vector<16xi32>,
      %add3A_117 = arith.addi %gather3A_116, %unique3A_115 : vector<16xi32>
      %sub3A_118 = arith.constant 1 : i32
      %sub3A_119 = vector.broadcast %sub3A_118 : i32 to vector<16xi32>
      %sub3A_120 = arith.subi %add3A_117, %sub3A_119 : vector<16xi32>
      %bitcast3A_121 = vector.bitcast %bitcast3A_105 : vector<16xi32> to vector<16xf32>
      tpu.vector_store_idx %arg5[%sub3A_120], %bitcast3A_121 : memref<32768xf32, #tpu.memory_space<vmem>>[vector<16xi32>], vector<16xf32>,
      tpu.vector_store_idx %arg7[%and3A_111], %unique3A_115 masked %unique3A_114 {add = true} : memref<2048xi32, #tpu.memory_space<vmem>>[vector<16xi32>], vector<16xi32>, vector<16xi1>
      %add3A_122 = arith.constant 1 : i32
      %add3A_123 = vector.broadcast %add3A_122 : i32 to vector<16xi32>
      %add3A_124 = arith.addi %sub3A_120, %add3A_123 : vector<16xi32>
      %and3A_125 = arith.constant 32767 : i32
      %and3A_126 = vector.broadcast %and3A_125 : i32 to vector<16xi32>
      %and3A_127 = arith.andi %add3A_124, %and3A_126 : vector<16xi32>
      %bitcast3A_128 = vector.bitcast %bitcast3A_105 : vector<16xi32> to vector<16xf32>
      tpu.vector_store_idx %arg6[%and3A_127], %bitcast3A_128 : memref<32768xf32, #tpu.memory_space<vmem>>[vector<16xi32>], vector<16xf32>,
      %mul3A_129 = arith.constant 4 : i32
      %mul3A_130 = arith.muli %scan3A_70, %mul3A_129 : i32
      %add3A_131 = arith.constant 2 : i32
      %add3A_132 = arith.addi %mul3A_130, %add3A_131 : i32
      %mul3A_133 = arith.constant 16 : i32
      %mul3A_134 = arith.muli %add3A_132, %mul3A_133 : i32
      %get3A_135 = arith.index_cast %mul3A_134 : i32 to index
      %get3A_136 = tpu.vector_load %arg4[%get3A_135] {strides = array<i32>} : memref<32768xf32, #tpu.memory_space<vmem>>, vector<16xf32>,
      %bitcast3A_137 = vector.bitcast %get3A_136 : vector<16xf32> to vector<16xi32>
      %broadcast_in_dim3A_138 = arith.constant 22 : i32
      %broadcast_in_dim3A_139 = vector.broadcast %broadcast_in_dim3A_138 : i32 to vector<16xi32>
      %shift_right_logical3A_140 = arith.shrui %bitcast3A_137, %broadcast_in_dim3A_139 : vector<16xi32>
      %and3A_141 = arith.constant 1023 : i32
      %and3A_142 = vector.broadcast %and3A_141 : i32 to vector<16xi32>
      %and3A_143 = arith.andi %shift_right_logical3A_140, %and3A_142 : vector<16xi32>
      %broadcast_in_dim3A_144 = arith.constant true
      %broadcast_in_dim3A_145 = vector.broadcast %broadcast_in_dim3A_144 : i1 to vector<16xi1>
      %unique3A_146, %unique3A_147 = tpu.scan_count mask(%broadcast_in_dim3A_145 : vector<16xi1>) value(%and3A_143 : vector<16xi32>) : vector<16xi1>, vector<16xi32>
      %gather3A_148 = tpu.vector_load_idx %arg7[%and3A_143] : memref<2048xi32, #tpu.memory_space<vmem>>[vector<16xi32>], vector<16xi32>,
      %add3A_149 = arith.addi %gather3A_148, %unique3A_147 : vector<16xi32>
      %sub3A_150 = arith.constant 1 : i32
      %sub3A_151 = vector.broadcast %sub3A_150 : i32 to vector<16xi32>
      %sub3A_152 = arith.subi %add3A_149, %sub3A_151 : vector<16xi32>
      %bitcast3A_153 = vector.bitcast %bitcast3A_137 : vector<16xi32> to vector<16xf32>
      tpu.vector_store_idx %arg5[%sub3A_152], %bitcast3A_153 : memref<32768xf32, #tpu.memory_space<vmem>>[vector<16xi32>], vector<16xf32>,
      tpu.vector_store_idx %arg7[%and3A_143], %unique3A_147 masked %unique3A_146 {add = true} : memref<2048xi32, #tpu.memory_space<vmem>>[vector<16xi32>], vector<16xi32>, vector<16xi1>
      %add3A_154 = arith.constant 1 : i32
      %add3A_155 = vector.broadcast %add3A_154 : i32 to vector<16xi32>
      %add3A_156 = arith.addi %sub3A_152, %add3A_155 : vector<16xi32>
      %and3A_157 = arith.constant 32767 : i32
      %and3A_158 = vector.broadcast %and3A_157 : i32 to vector<16xi32>
      %and3A_159 = arith.andi %add3A_156, %and3A_158 : vector<16xi32>
      %bitcast3A_160 = vector.bitcast %bitcast3A_137 : vector<16xi32> to vector<16xf32>
      tpu.vector_store_idx %arg6[%and3A_159], %bitcast3A_160 : memref<32768xf32, #tpu.memory_space<vmem>>[vector<16xi32>], vector<16xf32>,
      %mul3A_161 = arith.constant 4 : i32
      %mul3A_162 = arith.muli %scan3A_70, %mul3A_161 : i32
      %add3A_163 = arith.constant 3 : i32
      %add3A_164 = arith.addi %mul3A_162, %add3A_163 : i32
      %mul3A_165 = arith.constant 16 : i32
      %mul3A_166 = arith.muli %add3A_164, %mul3A_165 : i32
      %get3A_167 = arith.index_cast %mul3A_166 : i32 to index
      %get3A_168 = tpu.vector_load %arg4[%get3A_167] {strides = array<i32>} : memref<32768xf32, #tpu.memory_space<vmem>>, vector<16xf32>,
      %bitcast3A_169 = vector.bitcast %get3A_168 : vector<16xf32> to vector<16xi32>
      %broadcast_in_dim3A_170 = arith.constant 22 : i32
      %broadcast_in_dim3A_171 = vector.broadcast %broadcast_in_dim3A_170 : i32 to vector<16xi32>
      %shift_right_logical3A_172 = arith.shrui %bitcast3A_169, %broadcast_in_dim3A_171 : vector<16xi32>
      %and3A_173 = arith.constant 1023 : i32
      %and3A_174 = vector.broadcast %and3A_173 : i32 to vector<16xi32>
      %and3A_175 = arith.andi %shift_right_logical3A_172, %and3A_174 : vector<16xi32>
      %broadcast_in_dim3A_176 = arith.constant true
      %broadcast_in_dim3A_177 = vector.broadcast %broadcast_in_dim3A_176 : i1 to vector<16xi1>
      %unique3A_178, %unique3A_179 = tpu.scan_count mask(%broadcast_in_dim3A_177 : vector<16xi1>) value(%and3A_175 : vector<16xi32>) : vector<16xi1>, vector<16xi32>
      %gather3A_180 = tpu.vector_load_idx %arg7[%and3A_175] : memref<2048xi32, #tpu.memory_space<vmem>>[vector<16xi32>], vector<16xi32>,
      %add3A_181 = arith.addi %gather3A_180, %unique3A_179 : vector<16xi32>
      %sub3A_182 = arith.constant 1 : i32
      %sub3A_183 = vector.broadcast %sub3A_182 : i32 to vector<16xi32>
      %sub3A_184 = arith.subi %add3A_181, %sub3A_183 : vector<16xi32>
      %bitcast3A_185 = vector.bitcast %bitcast3A_169 : vector<16xi32> to vector<16xf32>
      tpu.vector_store_idx %arg5[%sub3A_184], %bitcast3A_185 : memref<32768xf32, #tpu.memory_space<vmem>>[vector<16xi32>], vector<16xf32>,
      tpu.vector_store_idx %arg7[%and3A_175], %unique3A_179 masked %unique3A_178 {add = true} : memref<2048xi32, #tpu.memory_space<vmem>>[vector<16xi32>], vector<16xi32>, vector<16xi1>
      %add3A_186 = arith.constant 1 : i32
      %add3A_187 = vector.broadcast %add3A_186 : i32 to vector<16xi32>
      %add3A_188 = arith.addi %sub3A_184, %add3A_187 : vector<16xi32>
      %and3A_189 = arith.constant 32767 : i32
      %and3A_190 = vector.broadcast %and3A_189 : i32 to vector<16xi32>
      %and3A_191 = arith.andi %add3A_188, %and3A_190 : vector<16xi32>
      %bitcast3A_192 = vector.bitcast %bitcast3A_169 : vector<16xi32> to vector<16xf32>
      tpu.vector_store_idx %arg6[%and3A_191], %bitcast3A_192 : memref<32768xf32, #tpu.memory_space<vmem>>[vector<16xi32>], vector<16xf32>,
      %scan3A_193 = arith.constant 0 : i32
      scf.yield %scan3A_193 : i32
    }
    %scan3A_54 = arith.constant 512 : i32
    %broadcast_in_dim3A = arith.constant 0 : i32
    %broadcast_in_dim3A_55 = vector.broadcast %broadcast_in_dim3A : i32 to vector<16xi32>
    %parallel_loop3A_56 = arith.constant 0 : i32
    %parallel_loop3A_57 = arith.constant 2048 : i32
    %parallel_loop3A_58 = arith.constant 1 : i32
    %parallel_loop3A_59 = arith.constant 0 : i32
    %parallel_loop3A_60:2 = scf.for %parallel_loop3A_70 = %parallel_loop3A_56 to %parallel_loop3A_57 step %parallel_loop3A_58 iter_args(%parallel_loop3A_71 = %broadcast_in_dim3A_55, %parallel_loop3A_72 = %parallel_loop3A_59) -> (vector<16xi32>, i32)  : i32 {
      %parallel_loop3A_73 = arith.constant 16 : i32
      %parallel_loop3A_74 = arith.muli %parallel_loop3A_70, %parallel_loop3A_73 : i32
      %parallel_loop3A_75 = arith.index_cast %parallel_loop3A_74 : i32 to index
      %parallel_loop3A_76 = tpu.vector_load %arg5[%parallel_loop3A_75] {strides = array<i32>} : memref<32768xf32, #tpu.memory_space<vmem>>, vector<16xf32>,
      %parallel_loop3A_77 = vector.bitcast %parallel_loop3A_76 : vector<16xf32> to vector<16xi32>
      %parallel_loop3A_78 = arith.index_cast %parallel_loop3A_74 : i32 to index
      %parallel_loop3A_79 = tpu.vector_load %arg6[%parallel_loop3A_78] {strides = array<i32>} : memref<32768xf32, #tpu.memory_space<vmem>>, vector<16xf32>,
      %parallel_loop3A_80 = vector.bitcast %parallel_loop3A_79 : vector<16xf32> to vector<16xi32>
      %parallel_loop3A_81 = arith.constant 0 : i32
      %parallel_loop3A_82 = vector.broadcast %parallel_loop3A_81 : i32 to vector<16xi32>
      %parallel_loop3A_83 = vector.broadcast %parallel_loop3A_70 : i32 to vector<16xi32>
      %parallel_loop3A_84 = arith.addi %parallel_loop3A_82, %parallel_loop3A_83 : vector<16xi32>
      %parallel_loop3A_85 = arith.constant 0 : i32
      %parallel_loop3A_86 = vector.broadcast %parallel_loop3A_85 : i32 to vector<16xi32>
      %parallel_loop3A_87 = arith.cmpi eq, %parallel_loop3A_84, %parallel_loop3A_86 : vector<16xi32>
      %parallel_loop3A_88 = tpu.iota {dimensions = array<i32: 0>} : vector<16xi32>
      %parallel_loop3A_89 = arith.constant 0 : i32
      %parallel_loop3A_90 = vector.broadcast %parallel_loop3A_89 : i32 to vector<16xi32>
      %parallel_loop3A_91 = arith.cmpi eq, %parallel_loop3A_88, %parallel_loop3A_90 : vector<16xi32>
      %parallel_loop3A_92 = arith.andi %parallel_loop3A_87, %parallel_loop3A_91 : vector<16xi1>
      %parallel_loop3A_93 = arith.cmpi ne, %parallel_loop3A_77, %parallel_loop3A_80 : vector<16xi32>
      %parallel_loop3A_94 = arith.constant 1 : i32
      %parallel_loop3A_95 = arith.constant 0 : i32
      %parallel_loop3A_96 = vector.broadcast %parallel_loop3A_94 : i32 to vector<16xi32>
      %parallel_loop3A_97 = vector.broadcast %parallel_loop3A_95 : i32 to vector<16xi32>
      %parallel_loop3A_98 = arith.select %parallel_loop3A_93, %parallel_loop3A_96, %parallel_loop3A_97 : vector<16xi1>, vector<16xi32>
      %parallel_loop3A_99 = arith.constant 1 : i32
      %parallel_loop3A_100 = vector.broadcast %parallel_loop3A_99 : i32 to vector<16xi32>
      %parallel_loop3A_101 = arith.select %parallel_loop3A_92, %parallel_loop3A_100, %parallel_loop3A_98 : vector<16xi1>, vector<16xi32>
      %parallel_loop3A_102 = vector.bitcast %parallel_loop3A_101 : vector<16xi32> to vector<16xf32>
      %parallel_loop3A_103 = arith.index_cast %parallel_loop3A_74 : i32 to index
      %parallel_loop3A_104 = tpu.vector_load %arg6[%parallel_loop3A_103] {strides = array<i32>} : memref<32768xf32, #tpu.memory_space<vmem>>, vector<16xf32>,
      tpu.vector_store %arg6[%parallel_loop3A_103], %parallel_loop3A_102 {strides = array<i32>} : memref<32768xf32, #tpu.memory_space<vmem>>, vector<16xf32>,
      %parallel_loop3A_105 = arith.constant -2147483648 : i32
      %parallel_loop3A_106 = vector.broadcast %parallel_loop3A_105 : i32 to vector<16xi32>
      %parallel_loop3A_107 = arith.xori %parallel_loop3A_80, %parallel_loop3A_106 : vector<16xi32>
      %parallel_loop3A_108 = arith.constant -2147483648 : i32
      %parallel_loop3A_109 = vector.broadcast %parallel_loop3A_108 : i32 to vector<16xi32>
      %parallel_loop3A_110 = arith.xori %parallel_loop3A_77, %parallel_loop3A_109 : vector<16xi32>
      %parallel_loop3A_111 = arith.cmpi sgt, %parallel_loop3A_107, %parallel_loop3A_110 : vector<16xi32>
      %parallel_loop3A_112 = arith.constant dense<true> : vector<16xi1>
      %parallel_loop3A_113 = arith.xori %parallel_loop3A_92, %parallel_loop3A_112 : vector<16xi1>
      %parallel_loop3A_114 = arith.andi %parallel_loop3A_111, %parallel_loop3A_113 : vector<16xi1>
      %parallel_loop3A_115 = arith.constant 1 : i32
      %parallel_loop3A_116 = arith.constant 0 : i32
      %parallel_loop3A_117 = vector.broadcast %parallel_loop3A_115 : i32 to vector<16xi32>
      %parallel_loop3A_118 = vector.broadcast %parallel_loop3A_116 : i32 to vector<16xi32>
      %parallel_loop3A_119 = arith.select %parallel_loop3A_114, %parallel_loop3A_117, %parallel_loop3A_118 : vector<16xi1>, vector<16xi32>
      %parallel_loop3A_120 = arith.addi %parallel_loop3A_71, %parallel_loop3A_119 : vector<16xi32>
      %parallel_loop3A_121 = arith.constant true
      %parallel_loop3A_122 = vector.broadcast %parallel_loop3A_121 : i1 to vector<16xi1>
      %parallel_loop3A_123 = tpu.scan <sum>, %parallel_loop3A_101 masked %parallel_loop3A_122 : vector<16xi32>, vector<16xi1> -> vector<16xi32>
      %parallel_loop3A_124 = vector.broadcast %parallel_loop3A_72 : i32 to vector<16xi32>
      %parallel_loop3A_125 = arith.addi %parallel_loop3A_124, %parallel_loop3A_123 : vector<16xi32>
      %parallel_loop3A_126 = vector.bitcast %parallel_loop3A_125 : vector<16xi32> to vector<16xf32>
      %parallel_loop3A_127 = arith.index_cast %parallel_loop3A_74 : i32 to index
      %parallel_loop3A_128 = tpu.vector_load %arg4[%parallel_loop3A_127] {strides = array<i32>} : memref<32768xf32, #tpu.memory_space<vmem>>, vector<16xf32>,
      tpu.vector_store %arg4[%parallel_loop3A_127], %parallel_loop3A_126 {strides = array<i32>} : memref<32768xf32, #tpu.memory_space<vmem>>, vector<16xf32>,
      %parallel_loop3A_129 = arith.constant true
      %parallel_loop3A_130 = vector.broadcast %parallel_loop3A_129 : i1 to vector<16xi1>
      %parallel_loop3A_131 = tpu.scan <sum>, %parallel_loop3A_101 masked %parallel_loop3A_130 : vector<16xi32>, vector<16xi1> -> vector<16xi32>
      %parallel_loop3A_132 = vector.extract %parallel_loop3A_131[15] : i32 from vector<16xi32>
      %parallel_loop3A_133 = arith.addi %parallel_loop3A_72, %parallel_loop3A_132 : i32
      scf.yield %parallel_loop3A_120, %parallel_loop3A_133 : vector<16xi32>, i32
    } {sc.loop_unroll_factor = 8 : i64, sc.parallel_access}
    %broadcast_in_dim3A_61 = arith.constant 0 : i32
    %broadcast_in_dim3A_62 = vector.broadcast %broadcast_in_dim3A_61 : i32 to vector<16xi32>
    %parallel_loop3A_63 = arith.constant 0 : i32
    %parallel_loop3A_64 = arith.constant 2048 : i32
    %parallel_loop3A_65 = arith.constant 1 : i32
    %parallel_loop3A_66 = arith.constant 0 : i32
    %parallel_loop3A_67:2 = scf.for %parallel_loop3A_70 = %parallel_loop3A_63 to %parallel_loop3A_64 step %parallel_loop3A_65 iter_args(%parallel_loop3A_71 = %parallel_loop3A_66, %parallel_loop3A_72 = %broadcast_in_dim3A_62) -> (i32, vector<16xi32>)  : i32 {
      %parallel_loop3A_73 = arith.constant 2047 : i32
      %parallel_loop3A_74 = arith.subi %parallel_loop3A_73, %parallel_loop3A_70 : i32
      %parallel_loop3A_75 = arith.constant 16 : i32
      %parallel_loop3A_76 = arith.muli %parallel_loop3A_74, %parallel_loop3A_75 : i32
      %parallel_loop3A_77 = arith.index_cast %parallel_loop3A_76 : i32 to index
      %parallel_loop3A_78 = tpu.vector_load %arg6[%parallel_loop3A_77] {strides = array<i32>} : memref<32768xf32, #tpu.memory_space<vmem>>, vector<16xf32>,
      %parallel_loop3A_79 = vector.bitcast %parallel_loop3A_78 : vector<16xf32> to vector<16xi32>
      %parallel_loop3A_80 = arith.index_cast %parallel_loop3A_76 : i32 to index
      %parallel_loop3A_81 = tpu.vector_load %arg4[%parallel_loop3A_80] {strides = array<i32>} : memref<32768xf32, #tpu.memory_space<vmem>>, vector<16xf32>,
      %parallel_loop3A_82 = vector.bitcast %parallel_loop3A_81 : vector<16xf32> to vector<16xi32>
      %parallel_loop3A_83 = arith.constant true
      %parallel_loop3A_84 = vector.broadcast %parallel_loop3A_83 : i1 to vector<16xi1>
      %parallel_loop3A_85 = tpu.scan <sum>, %parallel_loop3A_79 masked %parallel_loop3A_84 : vector<16xi32>, vector<16xi1> -> vector<16xi32>
      %parallel_loop3A_86 = arith.constant true
      %parallel_loop3A_87 = vector.broadcast %parallel_loop3A_86 : i1 to vector<16xi1>
      %parallel_loop3A_88 = tpu.scan <sum>, %parallel_loop3A_79 masked %parallel_loop3A_87 : vector<16xi32>, vector<16xi1> -> vector<16xi32>
      %parallel_loop3A_89 = vector.extract %parallel_loop3A_88[15] : i32 from vector<16xi32>
      %parallel_loop3A_90 = arith.addi %parallel_loop3A_71, %parallel_loop3A_89 : i32
      %parallel_loop3A_91 = vector.broadcast %parallel_loop3A_90 : i32 to vector<16xi32>
      %parallel_loop3A_92 = arith.subi %parallel_loop3A_91, %parallel_loop3A_85 : vector<16xi32>
      %parallel_loop3A_93 = arith.addi %parallel_loop3A_92, %parallel_loop3A_79 : vector<16xi32>
      %parallel_loop3A_94 = arith.addi %parallel_loop3A_82, %parallel_loop3A_93 : vector<16xi32>
      %parallel_loop3A_95 = vector.broadcast %parallel_loop3A_60#1 : i32 to vector<16xi32>
      %parallel_loop3A_96 = arith.addi %parallel_loop3A_95, %parallel_loop3A_79 : vector<16xi32>
      %parallel_loop3A_97 = arith.cmpi ne, %parallel_loop3A_94, %parallel_loop3A_96 : vector<16xi32>
      %parallel_loop3A_98 = arith.constant 1 : i32
      %parallel_loop3A_99 = arith.constant 0 : i32
      %parallel_loop3A_100 = vector.broadcast %parallel_loop3A_98 : i32 to vector<16xi32>
      %parallel_loop3A_101 = vector.broadcast %parallel_loop3A_99 : i32 to vector<16xi32>
      %parallel_loop3A_102 = arith.select %parallel_loop3A_97, %parallel_loop3A_100, %parallel_loop3A_101 : vector<16xi1>, vector<16xi32>
      %parallel_loop3A_103 = arith.addi %parallel_loop3A_72, %parallel_loop3A_102 : vector<16xi32>
      %parallel_loop3A_104 = arith.addi %parallel_loop3A_71, %parallel_loop3A_89 : i32
      scf.yield %parallel_loop3A_104, %parallel_loop3A_103 : i32, vector<16xi32>
    } {sc.loop_unroll_factor = 8 : i64, sc.parallel_access}
    %add3A_68 = arith.addi %parallel_loop3A_67#1, %parallel_loop3A_60#0 : vector<16xi32>
    %swap3A = arith.constant 0 : index
    %swap3A_69 = tpu.vector_load %arg9[%swap3A] {strides = array<i32>} : memref<16xi32, #tpu.memory_space<vmem>>, vector<16xi32>,
    tpu.vector_store %arg9[%swap3A], %add3A_68 {strides = array<i32>} : memref<16xi32, #tpu.memory_space<vmem>>, vector<16xi32>,
    "tpu.region"() ({
      %run_scoped3A = tpu.sem_alloc : memref<!tpu.dma_semaphore, #tpu.memory_space<semaphore_mem>>
      %dma_start3A = arith.constant 0 : i32
      %dma_start3A_70 = tpu.memref_slice %arg3[%add3A, %dma_start3A] : memref<32x16xi32, #tpu.memory_space<hbm>> -> memref<1x16xi32, #tpu.memory_space<hbm>>
      %dma_start3A_71 = tpu.memref_squeeze %dma_start3A_70 : memref<1x16xi32, #tpu.memory_space<hbm>> -> memref<16xi32, #tpu.memory_space<hbm>>
      %dma_start3A_72 = arith.constant 0 : i32
      %dma_start3A_73 = tpu.memref_slice %arg3[%add3A, %dma_start3A_72] : memref<32x16xi32, #tpu.memory_space<hbm>> -> memref<1x16xi32, #tpu.memory_space<hbm>>
      %dma_start3A_74 = tpu.memref_squeeze %dma_start3A_73 : memref<1x16xi32, #tpu.memory_space<hbm>> -> memref<16xi32, #tpu.memory_space<hbm>>
      tpu.enqueue_dma source(%arg9 : memref<16xi32, #tpu.memory_space<vmem>>) target(%dma_start3A_74 : memref<16xi32, #tpu.memory_space<hbm>>) target_semaphore(%run_scoped3A : memref<!tpu.dma_semaphore, #tpu.memory_space<semaphore_mem>>)
      %dma_wait3A = arith.constant 0 : i32
      %dma_wait3A_75 = tpu.memref_slice %arg3[%add3A, %dma_wait3A] : memref<32x16xi32, #tpu.memory_space<hbm>> -> memref<1x16xi32, #tpu.memory_space<hbm>>
      %dma_wait3A_76 = tpu.memref_squeeze %dma_wait3A_75 : memref<1x16xi32, #tpu.memory_space<hbm>> -> memref<16xi32, #tpu.memory_space<hbm>>
      %dma_wait3A_77 = arith.constant 0 : i32
      %dma_wait3A_78 = tpu.memref_slice %arg3[%add3A, %dma_wait3A_77] : memref<32x16xi32, #tpu.memory_space<hbm>> -> memref<1x16xi32, #tpu.memory_space<hbm>>
      %dma_wait3A_79 = tpu.memref_squeeze %dma_wait3A_78 : memref<1x16xi32, #tpu.memory_space<hbm>> -> memref<16xi32, #tpu.memory_space<hbm>>
      tpu.wait_dma2 semaphore(%run_scoped3A : memref<!tpu.dma_semaphore, #tpu.memory_space<semaphore_mem>>) src(%arg9 : memref<16xi32, #tpu.memory_space<vmem>>) dst(%dma_wait3A_79 : memref<16xi32, #tpu.memory_space<hbm>>)
      tpu.yield
    }) : () -> ()
    return
  }
}

</mosaic_0001>

<sc_bundles>
// kernel: kernel.3.cloned.1.call-start
scs
__scs_entry_jumppad:
0x0: {  	(pc) =	sbr.rel $0x88, $3  }
0x1: {  	(tag) =	ssettag $0x0;
	lr =	simm.s32 $0x1  }
0x2: {  	[smem:$0x3FA0] =	sst lr;
	_ =	strace $0xD0000000  }
0x3: {  	_ = 	snop  }
0x4: {  	_ = 	snop  }
0x5: {  	_ = 	snop  }
0x6: {  	_ = 	snop  }
0x7: {  	_ = 	snop  }
__scs_overlays_trampoline_lowered:
0x8: {  	[smem:$0x3FAF] =	sst s0  }
0x9: {  	[smem:$0x3FB0] =	sst s1  }
0xa: {  	[smem:$0x3FB1] =	sst s2  }
0xb: {  	[smem:$0x3FB2] =	sst s3  }
0xc: {  	[smem:$0x3FB3] =	sst s4  }
0xd: {  	[smem:$0x3FB4] =	sst s5  }
0xe: {  	[smem:$0x3FB5] =	sst s6  }
0xf: {  	[smem:$0x3FB6] =	sst s7  }
0x10: {  	[smem:$0x3FB7] =	sst s8  }
0x11: {  	[smem:$0x3FB8] =	sst s9;
	s0 =	simm.s32 @!p0 $0x0  }
0x12: {  	s1 =	sld [smem:$0x3F9E];
	s0 =	simm.s32 @p0 $0x1  }
0x13: {  	[smem:$0x3FB9] =	sst s0;
	s0 =	simm.s32 @!p1 $0x0  }
0x14: {  	s2 =	sld [smem:$0x3F9D];
	s0 =	simm.s32 @p1 $0x1  }
0x15: {  	[smem:$0x3FBA] =	sst s0;
	s0 =	simm.s32 @!p2 $0x0  }
0x16: {  	s3 =	sld [smem:$0x3FDB];
	s0 =	simm.s32 @p2 $0x1  }
0x17: {  	s4 =	simm.s32 $0x1BF5;
	[smem:$0x3FBC] =	sst s0  }
0x18: {  	s0 =	sld [smem:$0x3F9F];
	_ =	swait.ge [sflag:s4], $0x0  }
0x19: {  	s7 =	sld [smem:$0x3FA0]  }
0x1a: {  	s8 =	sadd.s32 $0xFFFFE003, lr  }
0x1b: {  	s9 =	sadd.s32 $0xFFFFFEF7, lr;
	s5 =	simm.s32 $0xFFFFFFFF;
	p2 =	slt.u32 s8, $0xFFFFF086  }
0x1c: {  	p1 =	slt.u32 s9, $0xF7A;
	s5 =	simm.s32 @!p2 $0x0  }
0x1d: {  	s5 =	simm.s32 @p1 $0x1;
	p0 =	seq.s32 s7, s2  }
0x1e: {  	s7 =	smul.u32 @!p0 $0xF7A, s2;
	p2 =	seq.s32 @!p0 s5, $0x0  }
0x1f: {  	s9 =	smul.u32 $0xF7A, s1;
	s8 =	simm.s32 @!p0 $0x1BF5;
	p2 =	por !p2, p0  }
0x20: {  	[sflag:s8] =	ssyncset.s32 @!p0 $0xFFFFF086;
	s6 =	sadd.s32 @!p0 s3, s7;
	s7 =	simm.s32 @!p0 $0x108  }
0x21: {  	s3 =	sadd.s32 s3, s9;
	s6 =	sadd.s32 @!p0 $0x88, s6;
	s7 =	simm.s32 @p2 $0x1082  }
0x22: {  	[simem:s7], [sflag:s8] =	dma.local @!p0 [hbm:s6], $0xF7A  }
0x23: {  	s9 =	sor.u32 $0xD0000000, s2;
	s6 =	simm.s32 $0x108;
	_ =	swait.ge @!p0 [sflag:s8], $0x0  }
0x24: {  	s3 =	sadd.s32 $0x88, s3;
	s6 =	simm.s32 @!p1 $0x1082;
	[sflag:s4] =	ssyncset.s32 $0xFFFFF086  }
0x25: {  	[simem:s6], [sflag:s4] =	dma.local [hbm:s3], $0xF7A  }
0x26: {  	[smem:$0x3FA0] =	sst s1;
	(tag) =	ssettag s2;
	_ =	strace s9  }
0x27: {  	s1 =	sld [smem:$0x3FB0]  }
0x28: {  	s2 =	sld [smem:$0x3FB1]  }
0x29: {  	s4 =	sld [smem:$0x3FB3]  }
0x2a: {  	p0 =	seq.s32 s5, $0x0;
	s5 =	sld [smem:$0x3FB4]  }
0x2b: {  	s6 =	sld [smem:$0x3FB5]  }
0x2c: {  	s7 =	sld [smem:$0x3FB6]  }
0x2d: {  	s3 =	simm.s32 $0x108;
	s8 =	sld [smem:$0x3FB7]  }
0x2e: {  	s3 =	simm.s32 @!p0 $0x1082;
	s9 =	sld [smem:$0x3FB8]  }
0x2f: {  	lr =	sadd.s32 s0, s3;
	s0 =	sld [smem:$0x3FAF]  }
0x30: {  	s3 =	sld [smem:$0x3FB2]  }
0x31: {  	[smem:$0x3FBB] =	sst s10  }
0x32: {  	s10 =	sld [smem:$0x3FB9];
	_ =	sdelay $0x3  }
0x33: {  	p0 =	seq.s32 s10, $0x1;
	s10 =	sld [smem:$0x3FBB];
	_ =	sdelay $0x3  }
0x34: {  	[smem:$0x3FBB] =	sst s10  }
0x35: {  	s10 =	sld [smem:$0x3FBA];
	_ =	sdelay $0x3  }
0x36: {  	p1 =	seq.s32 s10, $0x1;
	s10 =	sld [smem:$0x3FBB];
	_ =	sdelay $0x3  }
0x37: {  	[smem:$0x3FBB] =	sst s10  }
0x38: {  	s10 =	sld [smem:$0x3FBC]  }
0x39: {  	_ = 	snop;
	(pc) =	sbr.ind lr, $3  }
0x3a: {  	_ = 	snop  }
0x3b: {  	_ = 	snop  }
0x3c: {  	p2 =	seq.s32 s10, $0x1;
	s10 =	sld [smem:$0x3FBB]  }
0x3d: {  	_ =	shalt  }
0x3e: {  	_ =	shalt  }
0x3f: {  	_ =	shalt  }
0x40: {  	_ =	shalt  }
0x41: {  	_ =	shalt  }
0x42: {  	_ =	shalt  }
0x43: {  	_ =	shalt  }
0x44: {  	_ =	shalt  }
0x45: {  	_ =	shalt  }
0x46: {  	_ =	shalt  }
0x47: {  	_ =	shalt  }
0x48: {  	_ =	shalt  }
0x49: {  	_ =	shalt  }
0x4a: {  	_ =	shalt  }
0x4b: {  	_ =	shalt  }
0x4c: {  	_ =	shalt  }
0x4d: {  	_ =	shalt  }
0x4e: {  	_ =	shalt  }
0x4f: {  	_ =	shalt  }
0x50: {  	_ =	shalt  }
0x51: {  	_ =	shalt  }
0x52: {  	_ =	shalt  }
0x53: {  	_ =	shalt  }
0x54: {  	_ =	shalt  }
0x55: {  	_ =	shalt  }
0x56: {  	_ =	shalt  }
0x57: {  	_ =	shalt  }
0x58: {  	_ =	shalt  }
0x59: {  	_ =	shalt  }
0x5a: {  	_ =	shalt  }
0x5b: {  	_ =	shalt  }
0x5c: {  	_ =	shalt  }
0x5d: {  	_ =	shalt  }
0x5e: {  	_ =	shalt  }
0x5f: {  	_ =	shalt  }
0x60: {  	_ =	shalt  }
0x61: {  	_ =	shalt  }
0x62: {  	_ =	shalt  }
0x63: {  	_ =	shalt  }
0x64: {  	_ =	shalt  }
0x65: {  	_ =	shalt  }
0x66: {  	_ =	shalt  }
0x67: {  	_ =	shalt  }
0x68: {  	_ =	shalt  }
0x69: {  	_ =	shalt  }
0x6a: {  	_ =	shalt  }
0x6b: {  	_ =	shalt  }
0x6c: {  	_ =	shalt  }
0x6d: {  	_ =	shalt  }
0x6e: {  	_ =	shalt  }
0x6f: {  	_ =	shalt  }
0x70: {  	_ =	shalt  }
0x71: {  	_ =	shalt  }
0x72: {  	_ =	shalt  }
0x73: {  	_ =	shalt  }
0x74: {  	_ =	shalt  }
0x75: {  	_ =	shalt  }
0x76: {  	_ =	shalt  }
0x77: {  	_ =	shalt  }
0x78: {  	_ =	shalt  }
0x79: {  	_ =	shalt  }
0x7a: {  	_ =	shalt  }
0x7b: {  	_ =	shalt  }
0x7c: {  	_ =	shalt  }
0x7d: {  	_ =	shalt  }
0x7e: {  	_ =	shalt  }
0x7f: {  	_ =	shalt  }
0x80: {  	_ =	shalt  }
0x81: {  	_ =	shalt  }
0x82: {  	_ =	shalt  }
0x83: {  	_ =	shalt  }
0x84: {  	_ =	shalt  }
0x85: {  	_ =	shalt  }
0x86: {  	_ =	shalt  }
0x87: {  	_ =	shalt  }
.Lfunc_end0:
.L_simem_size_0:
called_computation_lowered:
.L_overlay_start_0:
0x88: {  	s2 =	sld [smem:$0x3FD9]  }
0x89: {  	s3 =	sld [smem:$0x3FFE];
	_ =	sdelay $0x1  }
0x8a: {  	s1 =	srdreg.scid  }
0x8b: {  	s0 =	sand.u32 $0x1, s1  }
0x8c: {  	s17 =	sshll.u32 s0, $0xA;
	s2 =	sadd.s32 s3, s2  }
0x8d: {  	s2 =	sadd.s32 s2, s17  }
0x8e: {  	[smem:$0x3FC7] =	sst s2  }
0x8f: {  	_ = 	snop  }
0x90: {  	s2 =	sld [smem:$0x3FC9];
	(tm) =	ssettm $0x1  }
0x91: {  	s18 =	sld [smem:$0x3FFB];
	_ =	sdelay $0x3  }
0x92: {  	_ =	strace s18  }
0x93: {  	s3 =	sld [smem:$0x3FFC];
	_ =	sdelay $0x3  }
0x94: {  	_ =	strace s3  }
0x95: {  	s3 =	sld [smem:$0x3FFD];
	_ =	sdelay $0x3  }
0x96: {  	_ =	strace s3  }
0x97: {  	_ =	strace $0x8FFFFFFF  }
0x98: {  	s19 =	sld [smem:$0x3FDB];
	_ =	sdelay $0x1  }
0x99: {  	s4 =	simm.s32 $_scs_section_size  }
0x9a: {  	s5 =	simm.s32 $_size__tile_overlayer_lowered;
	s6 =	simm.s32 $_tile_overlayer_lowered  }
0x9b: {  	s22 =	simm.s32 $0x1BFF;
	s21 =	sshll.u32 s6, $0x1;
	s3 =	sadd.s32 s4, s19  }
0x9c: {  	s7 =	simm.s32 $0x0;
	s20 =	sshll.u32 s5, $0x1;
	s5 =	sadd.s32 s21, s3  }
0x9d: {  	[timem:s7], [sflag:s22] =	dma.local [hbm:s5], s20  }
0x9e: {  	_ =	swait.ge [sflag:s22], s20  }
0x9f: {  	s4 =	ssub.s32 $0x0, s20;
	[sflag:s22] =	ssyncset.done $0x0  }
0xa0: {  	[sflag:s22] =	ssyncadd.s32 s4;
	_ =	sdelay $0x1  }
0xa1: {  	s23 =	simm.s32 $0x1B8B  }
0xa2: {  	_ =	swait.ge [sflag:s23], $0x1  }
0xa3: {  	[sflag:s23] =	ssyncset.done $0x0  }
0xa4: {  	s25 =	simm.s32 $0x1B8E;
	s24 =	sld [smem:$0x3FFE];
	[sflag:s23] =	ssyncadd.s32 $0xFFFFFFFF  }
0xa5: {  	s26 =	simm.s32 $execute0_lowered;
	[smem:$0x3FD2] =	sst s25  }
0xa6: {  	s5 =	sshll.u32 s26, $0x1;
	_ =	strace $0x80000046;
	[dreg:$0x1] =	wrdreg $0xFFFFFFFF  }
0xa7: {  	s28 =	simm.s32 $_size_execute0_lowered;
	s3 =	sadd.s32 s3, s5;
	[dreg:$0x0] =	wrdreg $0x0  }
0xa8: {  	s5 =	sshll.u32 s28, $0x1;
	[dreg:$0x2] =	wrdreg s3  }
0xa9: {  	[dreg:$0x3] =	wrdreg s5  }
0xaa: {  	[dreg:$0x4] =	wrdreg $0xC0  }
0xab: {  	_ =	task [dreg:s7], $0x5FFFF  }
0xac: {  	[dreg:$0x1] =	wrdreg $0xFFFFFFFF  }
0xad: {  	[dreg:$0x0] =	wrdreg $0x60  }
0xae: {  	[dreg:$0x2] =	wrdreg s2  }
0xaf: {  	[dreg:$0x3] =	wrdreg s24  }
0xb0: {  	[dreg:$0x4] =	wrdreg $0x9  }
0xb1: {  	_ =	task.clear_ibuf [dreg:s7], $0x5FFFF;
	_ =	strace $0x90000046  }
0xb2: {  	s29 =	simm.s32 $0x9;
	_ =	strace $0x80000048  }
0xb3: {  	_ =	swait.ge [sflag:s29], $0x1  }
0xb4: {  	[sflag:s29] =	ssyncadd.s32 $0xFFFFFFFF  }
0xb5: {  	_ =	strace $0x90000048  }
0xb6: {  	_ =	sfence  }
0xb7: {  	s30 =	sld [smem:$0x0];
	_ =	sdelay $0x2  }
0xb8: {  	s31 =	sshll.u32 s1, $0xD;
	s1 =	sshrl.u32 s1, $0x2  }
0xb9: {  	s3 =	sand.u32 $0x4000, s31;
	s1 =	sadd.s32 s1, s30  }
0xba: {  	s0 =	sor.u32 s3, s0;
	s1 =	sshll.u32 s1, $0x11  }
0xbb: {  	s0 =	sor.u32 s1, s0  }
0xbc: {  	s0 =	sadd.s32 $0x8F2B, s0  }
0xbd: {  	[sflag:s0] =	ssyncadd.remote.s32 $0x1  }
0xbe: {  	_ =	sfence.sel $0xFFFF  }
0xbf: {  	[dreg:$0x0] =	wrdreg $0xFFFFFFFF;
	(pc) =	sbr.abs _section_cstart, $3  }
0xc0: {  	[dreg:$0x1] =	wrdreg $0xFFFFFFFF  }
0xc1: {  	_ =	task.clear_ibuf [dreg:s7], $0x2FFFF;
	_ =	strace $0x9FFFFFFF  }
0xc2: {  	(tm) =	ssettm $0x7FFFFFFF  }
0xc3: {  	_ =	shalt  }
tec
execute0_lowered:
.L_overlay_start_1:
0x0: {  	(tag) =	ssettag $0x1  }
0x1: {  	s3 =	rddreg [dreg:$0x0]  }
0x2: {  	s4 =	rddreg [dreg:$0x1]  }
0x3: {  	s0 =	rddreg [dreg:$0x2]  }
0x4: {  	s5 =	srdreg.scid;
	s1 =	stileid.u32  }
0x5: {  	s2 =	simm.s32 $0x0;
	s9 =	simm.s32 $0x18800;
	s10 =	simm.s32 $0x10000  }
0x6: {  	s11 =	simm.s32 $0x19000;
	s12 =	simm.s32 $0x0;
	s5 =	sand.u32 $0x1, s5  }
0x7: {  	s6 =	sshll.u32 s1, $0x1;
	[smem:$0x7FF] =	sst s2;
	s7 =	ssub.s32 $0x2, s5  }
0x8: {  	s5 =	sor.u32 s5, s6;
	_ =	strace $0x80000047;
	s31 =	sshrl.u32 s7, $0x1  }
0x9: {  	s8 =	sshll.u32 s5, $0xC;
	s5 =	sshll.u32 s5, $0x4;
	s6 =	ssub.s32 s7, s31  }
0xa: {  	s3 =	sadd.s32 s3, s8;
	s4 =	sadd.s32 s4, s5;
	s7 =	simm.s32 $0x18000  }
0xb: {  	v0 =	vimm.s32 $0x0;
	vm0 =	vmxor vm0, vm0;
	s8 =	simm.s32 $0x8000;
	s5 =	smax.u32 s6, $0x1;
	s6 =	simm.s32 $0x1  }
.LBB2_1:
0xc: {  	[tilespmem:s2], [sflag:$0x1] =	stream.linear.gather [hbm4b:s3+s2], $0x8000, $0x38;
	[tilespmem:$0x19080] =	vst v63  }
0xd: {  	_ =	swait.ge [sflag:s6], $0x8000  }
0xe: {  	[sflag:s6] =	ssyncset.done $0x0  }
0xf: {  	s14 =	simm.s32 $0x18020;
	[sflag:s6] =	ssyncadd.s32 $0xFFFF8000  }
0x10: {  	[tilespmem:s14+$0xFFFFFFE0] =	vst v0  }
0x11: {  	[tilespmem:s14+$0x10] =	vst v0  }
0x12: {  	s15 =	simm.s32 $0x0;
	s13 =	simm.s32 $0x40;
	[tilespmem:s14+$0x0] =	vst v0  }
.LBB2_2:
0x13: {  	s15 =	sadd.s32 $0x4, s15  }
0x14: {  	[tilespmem:s14+$0xFFFFFFF0] =	vst v0;
	s14 =	sadd.s32 $0x40, s14;
	p0 =	slt.u32 s15, $0x7C  }
.Ltmp0:
0x15: {  	[tilespmem:s14+$0xFFFFFFE0] =	vst v0;
	(pc) =	sbr.rel @p0 .LBB2_2-.Ltmp0, $3  }
0x16: {  	_ =	sdelay $0x1  }
0x17: {  	[tilespmem:s14+$0x10] =	vst v0  }
0x18: {  	[tilespmem:s14+$0x0] =	vst v0  }
0x19: {  	[tilespmem:s14+$0xFFFFFFF0] =	vst v0  }
0x1a: {  	v1 =	vld [tilespmem:s13+$0xFFFFFFC0];
	_ =	sdelay $0x3  }
0x1b: {  	v2 =	vld [tilespmem:s13+$0x30]  }
0x1c: {  	v4 =	vld [tilespmem:s13+$0xFFFFFFE0];
	v3 =	vshra.s32 v1, $0x1F  }
0x1d: {  	v1 =	vxor.u32 v1, v3  }
0x1e: {  	v18 =	vand.u32 $0x7FF, v1  }
0x1f: {  	(xrf1) =	vunique.msk.u32 $0xffff, v18  }
0x20: {  	v1 =	vshra.s32 v2, $0x1F  }
0x21: {  	v3 =	vld [tilespmem:s13+$0xFFFFFFF0];
	v1 =	vxor.u32 v2, v1;
	v2 =	vshra.s32 v4, $0x1F  }
0x22: {  	v1 =	vand.u32 $0x7FF, v1;
	v2 =	vxor.u32 v4, v2;
	v4 =	vld [tilespmem:s13+$0x0]  }
0x23: {  	(xrf1) =	vunique.msk.u32 $0xffff, v1  }
0x24: {  	v5 =	vld [tilespmem:s13+$0xFFFFFFD0];
	v2 =	vand.u32 $0x7FF, v2  }
0x25: {  	v7 =	vld [tilespmem:s13+$0x20];
	(xrf1) =	vunique.msk.u32 $0xffff, v2  }
0x26: {  	v6 =	vld [tilespmem:s13+$0x10];
	v8 =	vshra.s32 v3, $0x1F  }
0x27: {  	s31 =	simm.s32 $0xC0;
	v3 =	vxor.u32 v3, v8;
	v8 =	vshra.s32 v4, $0x1F  }
0x28: {  	v10 =	vld [tilespmem:s31+$0xFFFFFFC0];
	v4 =	vxor.u32 v4, v8  }
0x29: {  	v11 =	vld [tilespmem:s31+$0x30];
	v12 =	vshra.s32 v5, $0x1F;
	v4 =	vand.u32 $0x7FF, v4  }
0x2a: {  	v5 =	vxor.u32 v5, v12;
	v12 =	vshra.s32 v7, $0x1F;
	v8 =	vld [tilespmem:s31+$0xFFFFFFE0];
	(xrf1) =	vunique.msk.u32 $0xffff, v4  }
0x2b: {  	v13 =	vld [tilespmem:s31+$0xFFFFFFF0];
	v9 =	vshra.s32 v6, $0x1F;
	v5 =	vand.u32 $0x7FF, v5;
	v7 =	vxor.u32 v7, v12  }
0x2c: {  	v9 =	vxor.u32 v6, v9;
	v6 =	vand.u32 $0x7FF, v7;
	(xrf1) =	vunique.msk.u32 $0xffff, v5  }
0x2d: {  	v14 =	vld [tilespmem:s31+$0x10];
	v9 =	vand.u32 $0x7FF, v9;
	v7 =	vshra.s32 v10, $0x1F;
	_, v19, vm3 =	vpop (xrf1);
	(xrf1) =	vunique.msk.u32 $0xffff, v6  }
0x2e: {  	v7 =	vxor.u32 v10, v7;
	v10 =	vshra.s32 v11, $0x1F;
	v3 =	vand.u32 $0x7FF, v3;
	(xrf1) =	vunique.msk.u32 $0xffff, v9  }
0x2f: {  	v10 =	vxor.u32 v11, v10;
	v12 =	vshra.s32 v8, $0x1F;
	(xrf1) =	vunique.msk.u32 $0xffff, v3  }
0x30: {  	v17 =	vld [tilespmem:s31+$0xFFFFFFD0];
	v11 =	vand.u32 $0x7FF, v10;
	v10 =	vshra.s32 v13, $0x1F;
	v8 =	vxor.u32 v8, v12  }
0x31: {  	v7 =	vand.u32 $0x7FF, v7;
	v12 =	vand.u32 $0x7FF, v8;
	v8 =	vxor.u32 v13, v10;
	_, v13, vm1 =	vpop (xrf1)  }
0x32: {  	v15 =	vld [tilespmem:s31+$0x0];
	v10 =	vshra.s32 v14, $0x1F;
	(xrf1) =	vunique.msk.u32 $0xffff, v7  }
0x33: {  	v10 =	vxor.u32 v14, v10;
	_, v14, vm2 =	vpop (xrf1);
	(xrf1) =	vunique.msk.u32 $0xffff, v11;
	_ =	sdelay $0x1  }
0x34: {  	v16 =	vld [tilespmem:s31+$0x20];
	v20 =	vshra.s32 v17, $0x1F;
	(xrf1) =	vunique.msk.u32 $0xffff, v12  }
0x35: {  	s14 =	simm.s32 $0x140;
	v17 =	vxor.u32 v17, v20;
	s13 =	simm.s32 $0x8;
	v8 =	vand.u32 $0x7FF, v8;
	v10 =	vand.u32 $0x7FF, v10;
	[tilespmem:v18+s7+$0x0] =	vst.idx.add.s32.msk vm3, v19  }
.LBB2_4:
0x36: {  	s13 =	sadd.s32 $0x8, s13;
	v18 =	vshra.s32 v15, $0x1F;
	[tilespmem:v1+s7+$0x0] =	vst.idx.add.s32.msk vm1, v13;
	v1 =	vmov v11  }
0x37: {  	v19 =	vld [tilespmem:s14+$0x10];
	p0 =	slt.u32 s13, $0x7F8;
	v11 =	vxor.u32 v15, v18;
	_, v13, vm1 =	vpop (xrf1)  }
0x38: {  	v11 =	vand.u32 $0x7FF, v11;
	[tilespmem:v2+s7+$0x0] =	vst.idx.add.s32.msk vm2, v14;
	v2 =	vmov v12  }
0x39: {  	v12 =	vld [tilespmem:s14+$0xFFFFFFC0];
	v14 =	vshra.s32 v16, $0x1F;
	(xrf1) =	vunique.msk.u32 $0xffff, v11;
	_, v15, vm2 =	vpop (xrf1)  }
0x3a: {  	v17 =	vand.u32 $0x7FF, v17;
	v18 =	vld [tilespmem:s14+$0x30];
	v14 =	vxor.u32 v16, v14;
	_, v16, vm6 =	vpop (xrf1)  }
0x3b: {  	v20 =	vld [tilespmem:s14+$0xFFFFFFE0];
	v14 =	vand.u32 $0x7FF, v14;
	(xrf1) =	vunique.msk.u32 $0xffff, v17;
	_, v21, vm5 =	vpop (xrf1)  }
0x3c: {  	v22 =	vld [tilespmem:s14+$0xFFFFFFF0];
	(xrf1) =	vunique.msk.u32 $0xffff, v14;
	_, v23, vm4 =	vpop (xrf1)  }
0x3d: {  	(xrf1) =	vunique.msk.u32 $0xffff, v10;
	[tilespmem:v4+s7+$0x0] =	vst.idx.add.s32.msk vm1, v13;
	v4 =	vmov v11  }
0x3e: {  	v11 =	vshra.s32 v12, $0x1F;
	v24 =	vld [tilespmem:s14+$0xFFFFFFD0];
	(xrf1) =	vunique.msk.u32 $0xffff, v8  }
0x3f: {  	v11 =	vxor.u32 v12, v11;
	v12 =	vshra.s32 v18, $0x1F;
	_, v25, vm3 =	vpop (xrf1);
	[tilespmem:v5+s7+$0x0] =	vst.idx.add.s32.msk vm2, v15;
	v5 =	vmov v17  }
0x40: {  	v26 =	vand.u32 $0x7FF, v11;
	v11 =	vxor.u32 v18, v12;
	_, v13, vm1 =	vpop (xrf1);
	[tilespmem:v6+s7+$0x0] =	vst.idx.add.s32.msk vm6, v16;
	v6 =	vmov v14  }
.Ltmp1:
0x41: {  	v12 =	vshra.s32 v20, $0x1F;
	v15 =	vld [tilespmem:s14+$0x0];
	v11 =	vand.u32 $0x7FF, v11;
	(xrf1) =	vunique.msk.u32 $0xffff, v26;
	(pc) =	sbr.rel @p0 .LBB2_4-.Ltmp1, $4  }
0x42: {  	v12 =	vxor.u32 v20, v12;
	v16 =	vshra.s32 v22, $0x1F;
	(xrf1) =	vunique.msk.u32 $0xffff, v11;
	_, v14, vm2 =	vpop (xrf1);
	[tilespmem:v9+s7+$0x0] =	vst.idx.add.s32.msk vm5, v21  }
0x43: {  	v12 =	vand.u32 $0x7FF, v12;
	v20 =	vxor.u32 v22, v16;
	v16 =	vshra.s32 v19, $0x1F;
	[tilespmem:v3+s7+$0x0] =	vst.idx.add.s32.msk vm4, v23;
	v3 =	vmovc v8  }
0x44: {  	v9 =	vmovc v10;
	v17 =	vshra.s32 v24, $0x1F;
	v8 =	vand.u32 $0x7FF, v20;
	v18 =	vxor.u32 v19, v16;
	v16 =	vld [tilespmem:s14+$0x20];
	(xrf1) =	vunique.msk.u32 $0xffff, v12  }
0x45: {  	v17 =	vxor.u32 v24, v17;
	v10 =	vand.u32 $0x7FF, v18;
	s14 =	sadd.s32 $0x80, s14;
	[tilespmem:v7+s7+$0x0] =	vst.idx.add.s32.msk vm3, v25;
	v7 =	vmov v26  }
0x46: {  	_ = 	snop  }
0x47: {  	v18 =	vshra.s32 v15, $0x1F  }
0x48: {  	v15 =	vxor.u32 v15, v18  }
0x49: {  	v15 =	vand.u32 $0x7FF, v15;
	v62 =	vshra.s32 v16, $0x1F  }
0x4a: {  	v17 =	vand.u32 $0x7FF, v17;
	(xrf1) =	vunique.msk.u32 $0xffff, v15;
	v16 =	vxor.u32 v16, v62  }
0x4b: {  	(xrf1) =	vunique.msk.u32 $0xffff, v17;
	v16 =	vand.u32 $0x7FF, v16  }
0x4c: {  	(xrf1) =	vunique.msk.u32 $0xffff, v16  }
0x4d: {  	(xrf1) =	vunique.msk.u32 $0xffff, v10  }
0x4e: {  	(xrf1) =	vunique.msk.u32 $0xffff, v8;
	_ =	sdelay $0x1  }
0x4f: {  	_, v63, vm3 =	vpop (xrf1)  }
0x50: {  	_, v19, vm4 =	vpop (xrf1)  }
0x51: {  	_, v20, vm5 =	vpop (xrf1)  }
0x52: {  	_, v21, vm6 =	vpop (xrf1)  }
0x53: {  	[tilespmem:v1+s7+$0x0] =	vst.idx.add.s32.msk vm1, v13;
	_, v1, vm1 =	vpop (xrf1)  }
0x54: {  	[tilespmem:v2+s7+$0x0] =	vst.idx.add.s32.msk vm2, v14;
	_, v2, vm2 =	vpop (xrf1)  }
0x55: {  	[tilespmem:v4+s7+$0x0] =	vst.idx.add.s32.msk vm3, v63;
	_, v4, vm3 =	vpop (xrf1)  }
0x56: {  	[tilespmem:v5+s7+$0x0] =	vst.idx.add.s32.msk vm4, v19;
	_, v5, vm4 =	vpop (xrf1)  }
0x57: {  	[tilespmem:v6+s7+$0x0] =	vst.idx.add.s32.msk vm5, v20;
	_, v6, vm5 =	vpop (xrf1)  }
0x58: {  	[tilespmem:v9+s7+$0x0] =	vst.idx.add.s32.msk vm6, v21;
	_, v9, vm6 =	vpop (xrf1)  }
0x59: {  	[tilespmem:v3+s7+$0x0] =	vst.idx.add.s32.msk vm1, v1;
	_, v1, vm1 =	vpop (xrf1)  }
0x5a: {  	[tilespmem:v7+s7+$0x0] =	vst.idx.add.s32.msk vm2, v2;
	_, v2, vm2 =	vpop (xrf1)  }
0x5b: {  	[tilespmem:v11+s7+$0x0] =	vst.idx.add.s32.msk vm3, v4;
	_, v3, vm3 =	vpop (xrf1)  }
0x5c: {  	[tilespmem:v12+s7+$0x0] =	vst.idx.add.s32.msk vm4, v5  }
0x5d: {  	[tilespmem:v15+s7+$0x0] =	vst.idx.add.s32.msk vm5, v6  }
0x5e: {  	[tilespmem:v17+s7+$0x0] =	vst.idx.add.s32.msk vm6, v9  }
0x5f: {  	[tilespmem:v16+s7+$0x0] =	vst.idx.add.s32.msk vm1, v1  }
0x60: {  	[tilespmem:v10+s7+$0x0] =	vst.idx.add.s32.msk vm2, v2  }
0x61: {  	s16 =	simm.s32 $0x0;
	[tilespmem:v8+s7+$0x0] =	vst.idx.add.s32.msk vm3, v3  }
0x62: {  	v1 =	vld [tilespmem:s16+$0x18000];
	_ =	sdelay $0x4  }
0x63: {  	(xrf0) =	vadd.scan.msk.s32 $0xffff, v1;
	_ =	sdelay $0x5  }
0x64: {  	v2, _, _ =	vpop (xrf0)  }
0x65: {  	s13 =	simm.s32 $0x0;
	(v2sf) =	vpush v2, $0xF  }
0x66: {  	v1 =	vsub.s32 s13, v1  }
0x67: {  	v1 =	vadd.s32 v2, v1  }
0x68: {  	s14 =	simm.s32 $0x10;
	s15 =	simm.s32 $0x80;
	[tilespmem:s16+$0x18000] =	vst v1  }
.LBB2_6:
0x69: {  	p0 =	sne.s32 s15, $0x1FC0;
	v1 =	vld [tilespmem:s14+$0x18000];
	_ =	sdelay $0x4  }
0x6a: {  	(xrf0) =	vadd.scan.msk.s32 $0xffff, v1;
	_ =	sdelay $0x5  }
.Ltmp2:
0x6b: {  	v2, _, _ =	vpop (xrf0);
	s16 =	spop (v2sf);
	(pc) =	sbr.rel @p0 .LBB2_6-.Ltmp2, $4  }
0x6c: {  	(v2sf) =	vpush v2, $0xF;
	s13 =	sadd.s32 s13, s16  }
0x6d: {  	v1 =	vsub.s32 s13, v1  }
0x6e: {  	v1 =	vadd.s32 v2, v1  }
0x6f: {  	[tilespmem:s14+$0x18000] =	vst v1;
	s14 =	sshra.s32 s15, $0x2;
	s15 =	sadd.s32 $0x40, s15  }
0x70: {  	v1 =	vld [tilespmem:s14+$0x18000];
	_ =	sdelay $0x4  }
0x71: {  	(xrf0) =	vadd.scan.msk.s32 $0xffff, v1;
	_ =	sdelay $0x5  }
0x72: {  	v2, _, _ =	vpop (xrf0)  }
0x73: {  	(v2sf) =	vpush v2, $0xF;
	_ =	sdelay $0x7  }
0x74: {  	s15 =	spop (v2sf)  }
0x75: {  	s13 =	sadd.s32 s13, s15  }
0x76: {  	v1 =	vsub.s32 s13, v1  }
0x77: {  	v1 =	vadd.s32 v2, v1  }
0x78: {  	s13 =	simm.s32 $0x18820;
	[tilespmem:s14+$0x18000] =	vst v1  }
0x79: {  	[tilespmem:s13+$0xFFFFFFE0] =	vst v0  }
0x7a: {  	[tilespmem:s13+$0x10] =	vst v0  }
0x7b: {  	s14 =	simm.s32 $0x0;
	[tilespmem:s13+$0x0] =	vst v0;
	s31 =	spop (v2sf)  }
.LBB2_8:
0x7c: {  	s14 =	sadd.s32 $0x4, s14  }
0x7d: {  	[tilespmem:s13+$0xFFFFFFF0] =	vst v0;
	s13 =	sadd.s32 $0x40, s13;
	p0 =	slt.u32 s14, $0x7C  }
.Ltmp3:
0x7e: {  	[tilespmem:s13+$0xFFFFFFE0] =	vst v0;
	(pc) =	sbr.rel @p0 .LBB2_8-.Ltmp3, $3  }
0x7f: {  	_ =	sdelay $0x1  }
0x80: {  	[tilespmem:s13+$0x10] =	vst v0  }
0x81: {  	[tilespmem:s13+$0x0] =	vst v0  }
0x82: {  	[tilespmem:s13+$0xFFFFFFF0] =	vst v0;
	s13 =	simm.s32 $0x0;
	s14 =	simm.s32 $0x0  }
.LBB2_10:
0x83: {  	s15 =	sshra.s32 s14, $0x2  }
0x84: {  	v1 =	vld [tilespmem:s15+$0x0];
	_ =	sdelay $0x4  }
0x85: {  	v2 =	vshra.s32 v1, $0x1F  }
0x86: {  	v2 =	vor.u32 $0x80000000, v2  }
0x87: {  	v1 =	vxor.u32 v1, v2  }
0x88: {  	v2 =	vand.u32 $0x7FF, v1  }
0x89: {  	(xrf1) =	vunique.msk.u32 $0xffff, v2  }
0x8a: {  	v3 =	vshrl.u32 v1, $0xB  }
0x8b: {  	v3 =	vand.u32 $0x7FF, v3  }
0x8c: {  	(xrf1) =	vunique.msk.u32 $0xffff, v3;
	_ =	sdelay $0x6  }
0x8d: {  	v4 =	vld.idx.msk [tilespmem:v2+s7+$0x0], $0xffff;
	_ =	sdelay $0x3  }
0x8e: {  	_, v5, vm1 =	vpop (xrf1)  }
0x8f: {  	v4 =	vadd.s32 v5, v4  }
0x90: {  	v4 =	vadd.s32 $0xFFFFFFFF, v4  }
0x91: {  	_, v6, vm2 =	vpop (xrf1);
	_ =	sdelay $0x3  }
0x92: {  	[tilespmem:v4+s8+$0x0] =	vst.idx.msk $0xffff, v1  }
0x93: {  	[tilespmem:v2+s7+$0x0] =	vst.idx.add.s32.msk vm1, v5  }
0x94: {  	[tilespmem:v3+s9+$0x0] =	vst.idx.add.s32.msk vm2, v6  }
0x95: {  	v1 =	vld [tilespmem:s15+$0x10];
	_ =	sdelay $0x4  }
0x96: {  	v2 =	vshra.s32 v1, $0x1F  }
0x97: {  	v2 =	vor.u32 $0x80000000, v2  }
0x98: {  	v1 =	vxor.u32 v1, v2  }
0x99: {  	v2 =	vand.u32 $0x7FF, v1  }
0x9a: {  	(xrf1) =	vunique.msk.u32 $0xffff, v2  }
0x9b: {  	v3 =	vshrl.u32 v1, $0xB  }
0x9c: {  	v3 =	vand.u32 $0x7FF, v3  }
0x9d: {  	(xrf1) =	vunique.msk.u32 $0xffff, v3;
	_ =	sdelay $0x6  }
0x9e: {  	v4 =	vld.idx.msk [tilespmem:v2+s7+$0x0], $0xffff;
	_ =	sdelay $0x3  }
0x9f: {  	_, v5, vm1 =	vpop (xrf1)  }
0xa0: {  	v4 =	vadd.s32 v5, v4  }
0xa1: {  	v4 =	vadd.s32 $0xFFFFFFFF, v4  }
0xa2: {  	_, v6, vm2 =	vpop (xrf1);
	_ =	sdelay $0x3  }
0xa3: {  	[tilespmem:v4+s8+$0x0] =	vst.idx.msk $0xffff, v1  }
0xa4: {  	[tilespmem:v2+s7+$0x0] =	vst.idx.add.s32.msk vm1, v5  }
0xa5: {  	[tilespmem:v3+s9+$0x0] =	vst.idx.add.s32.msk vm2, v6  }
0xa6: {  	v1 =	vld [tilespmem:s15+$0x20];
	_ =	sdelay $0x4  }
0xa7: {  	v2 =	vshra.s32 v1, $0x1F  }
0xa8: {  	v2 =	vor.u32 $0x80000000, v2  }
0xa9: {  	v1 =	vxor.u32 v1, v2  }
0xaa: {  	v2 =	vand.u32 $0x7FF, v1  }
0xab: {  	(xrf1) =	vunique.msk.u32 $0xffff, v2  }
0xac: {  	v3 =	vshrl.u32 v1, $0xB  }
0xad: {  	v3 =	vand.u32 $0x7FF, v3  }
0xae: {  	(xrf1) =	vunique.msk.u32 $0xffff, v3;
	_ =	sdelay $0x6  }
0xaf: {  	v4 =	vld.idx.msk [tilespmem:v2+s7+$0x0], $0xffff;
	_ =	sdelay $0x3  }
0xb0: {  	_, v5, vm1 =	vpop (xrf1)  }
0xb1: {  	v4 =	vadd.s32 v5, v4  }
0xb2: {  	v4 =	vadd.s32 $0xFFFFFFFF, v4  }
0xb3: {  	_, v6, vm2 =	vpop (xrf1);
	_ =	sdelay $0x3  }
0xb4: {  	[tilespmem:v4+s8+$0x0] =	vst.idx.msk $0xffff, v1  }
0xb5: {  	[tilespmem:v2+s7+$0x0] =	vst.idx.add.s32.msk vm1, v5  }
0xb6: {  	[tilespmem:v3+s9+$0x0] =	vst.idx.add.s32.msk vm2, v6  }
0xb7: {  	v1 =	vld [tilespmem:s15+$0x30];
	_ =	sdelay $0x4  }
0xb8: {  	v2 =	vshra.s32 v1, $0x1F  }
0xb9: {  	v2 =	vor.u32 $0x80000000, v2  }
0xba: {  	v1 =	vxor.u32 v1, v2  }
0xbb: {  	v2 =	vand.u32 $0x7FF, v1  }
0xbc: {  	(xrf1) =	vunique.msk.u32 $0xffff, v2  }
0xbd: {  	v3 =	vshrl.u32 v1, $0xB  }
0xbe: {  	v3 =	vand.u32 $0x7FF, v3  }
0xbf: {  	(xrf1) =	vunique.msk.u32 $0xffff, v3;
	_ =	sdelay $0x6  }
0xc0: {  	v4 =	vld.idx.msk [tilespmem:v2+s7+$0x0], $0xffff;
	_ =	sdelay $0x3  }
0xc1: {  	_, v5, vm1 =	vpop (xrf1)  }
0xc2: {  	v4 =	vadd.s32 v5, v4  }
0xc3: {  	v4 =	vadd.s32 $0xFFFFFFFF, v4  }
0xc4: {  	_, v6, vm2 =	vpop (xrf1)  }
0xc5: {  	p0 =	sne.s32 s14, $0x1FF00  }
.Ltmp4:
0xc6: {  	_ = 	snop;
	(pc) =	sbr.rel @p0 .LBB2_10-.Ltmp4, $4  }
0xc7: {  	_ = 	snop  }
0xc8: {  	[tilespmem:v4+s8+$0x0] =	vst.idx.msk $0xffff, v1  }
0xc9: {  	[tilespmem:v2+s7+$0x0] =	vst.idx.add.s32.msk vm1, v5  }
0xca: {  	s14 =	sadd.s32 $0x100, s14;
	[tilespmem:v3+s9+$0x0] =	vst.idx.add.s32.msk vm2, v6  }
0xcb: {  	s16 =	sshra.s32 s13, $0x2  }
0xcc: {  	v1 =	vld [tilespmem:s16+$0x18800];
	_ =	sdelay $0x4  }
0xcd: {  	(xrf0) =	vadd.scan.msk.s32 $0xffff, v1;
	_ =	sdelay $0x5  }
0xce: {  	v2, _, _ =	vpop (xrf0)  }
0xcf: {  	(v2sf) =	vpush v2, $0xF  }
0xd0: {  	v1 =	vsub.s32 s13, v1  }
0xd1: {  	s15 =	sadd.s32 $0x40, s13;
	v1 =	vadd.s32 v2, v1  }
0xd2: {  	s14 =	sshra.s32 s15, $0x2;
	s15 =	sadd.s32 $0x40, s15;
	[tilespmem:s16+$0x18800] =	vst v1  }
.LBB2_12:
0xd3: {  	p0 =	sne.s32 s15, $0x1FC0;
	v1 =	vld [tilespmem:s14+$0x18800];
	_ =	sdelay $0x4  }
0xd4: {  	(xrf0) =	vadd.scan.msk.s32 $0xffff, v1;
	_ =	sdelay $0x5  }
.Ltmp5:
0xd5: {  	v2, _, _ =	vpop (xrf0);
	s16 =	spop (v2sf);
	(pc) =	sbr.rel @p0 .LBB2_12-.Ltmp5, $4  }
0xd6: {  	(v2sf) =	vpush v2, $0xF;
	s13 =	sadd.s32 s13, s16  }
0xd7: {  	v1 =	vsub.s32 s13, v1  }
0xd8: {  	v1 =	vadd.s32 v2, v1  }
0xd9: {  	[tilespmem:s14+$0x18800] =	vst v1;
	s14 =	sshra.s32 s15, $0x2;
	s15 =	sadd.s32 $0x40, s15  }
0xda: {  	v1 =	vld [tilespmem:s14+$0x18800];
	_ =	sdelay $0x4  }
0xdb: {  	(xrf0) =	vadd.scan.msk.s32 $0xffff, v1;
	_ =	sdelay $0x5  }
0xdc: {  	v2, _, _ =	vpop (xrf0)  }
0xdd: {  	(v2sf) =	vpush v2, $0xF;
	_ =	sdelay $0x7  }
0xde: {  	s15 =	spop (v2sf)  }
0xdf: {  	s13 =	sadd.s32 s13, s15  }
0xe0: {  	v1 =	vsub.s32 s13, v1  }
0xe1: {  	v1 =	vadd.s32 v2, v1  }
0xe2: {  	s13 =	simm.s32 $0x18020;
	[tilespmem:s14+$0x18800] =	vst v1  }
0xe3: {  	[tilespmem:s13+$0xFFFFFFE0] =	vst v0  }
0xe4: {  	[tilespmem:s13+$0x10] =	vst v0  }
0xe5: {  	s14 =	simm.s32 $0x0;
	[tilespmem:s13+$0x0] =	vst v0;
	s31 =	spop (v2sf)  }
.LBB2_14:
0xe6: {  	s14 =	sadd.s32 $0x4, s14  }
0xe7: {  	[tilespmem:s13+$0xFFFFFFF0] =	vst v0;
	s13 =	sadd.s32 $0x40, s13;
	p0 =	slt.u32 s14, $0x7C  }
.Ltmp6:
0xe8: {  	[tilespmem:s13+$0xFFFFFFE0] =	vst v0;
	(pc) =	sbr.rel @p0 .LBB2_14-.Ltmp6, $3  }
0xe9: {  	_ =	sdelay $0x1  }
0xea: {  	[tilespmem:s13+$0x10] =	vst v0  }
0xeb: {  	[tilespmem:s13+$0x0] =	vst v0  }
0xec: {  	[tilespmem:s13+$0xFFFFFFF0] =	vst v0;
	s13 =	simm.s32 $0x0;
	s14 =	simm.s32 $0x0  }
.LBB2_16:
0xed: {  	s15 =	sshra.s32 s14, $0x2  }
0xee: {  	v1 =	vld [tilespmem:s15+$0x8000];
	_ =	sdelay $0x4  }
0xef: {  	v2 =	vshrl.u32 v1, $0xB  }
0xf0: {  	v2 =	vand.u32 $0x7FF, v2  }
0xf1: {  	(xrf1) =	vunique.msk.u32 $0xffff, v2;
	_ =	sdelay $0x1  }
0xf2: {  	v3 =	vshrl.u32 v1, $0x16  }
0xf3: {  	(xrf1) =	vunique.msk.u32 $0xffff, v3;
	_ =	sdelay $0x6  }
0xf4: {  	v4 =	vld.idx.msk [tilespmem:v2+s9+$0x0], $0xffff;
	_ =	sdelay $0x3  }
0xf5: {  	_, v5, vm1 =	vpop (xrf1)  }
0xf6: {  	v4 =	vadd.s32 v5, v4  }
0xf7: {  	v4 =	vadd.s32 $0xFFFFFFFF, v4  }
0xf8: {  	_, v6, vm2 =	vpop (xrf1);
	_ =	sdelay $0x3  }
0xf9: {  	[tilespmem:v4+s13+$0x0] =	vst.idx.msk $0xffff, v1  }
0xfa: {  	[tilespmem:v2+s9+$0x0] =	vst.idx.add.s32.msk vm1, v5  }
0xfb: {  	[tilespmem:v3+s7+$0x0] =	vst.idx.add.s32.msk vm2, v6  }
0xfc: {  	v1 =	vld [tilespmem:s15+$0x8010];
	_ =	sdelay $0x4  }
0xfd: {  	v2 =	vshrl.u32 v1, $0xB  }
0xfe: {  	v2 =	vand.u32 $0x7FF, v2  }
0xff: {  	(xrf1) =	vunique.msk.u32 $0xffff, v2;
	_ =	sdelay $0x1  }
0x100: {  	v3 =	vshrl.u32 v1, $0x16  }
0x101: {  	(xrf1) =	vunique.msk.u32 $0xffff, v3;
	_ =	sdelay $0x6  }
0x102: {  	v4 =	vld.idx.msk [tilespmem:v2+s9+$0x0], $0xffff;
	_ =	sdelay $0x3  }
0x103: {  	_, v5, vm1 =	vpop (xrf1)  }
0x104: {  	v4 =	vadd.s32 v5, v4  }
0x105: {  	v4 =	vadd.s32 $0xFFFFFFFF, v4  }
0x106: {  	_, v6, vm2 =	vpop (xrf1);
	_ =	sdelay $0x3  }
0x107: {  	[tilespmem:v4+s13+$0x0] =	vst.idx.msk $0xffff, v1  }
0x108: {  	[tilespmem:v2+s9+$0x0] =	vst.idx.add.s32.msk vm1, v5  }
0x109: {  	[tilespmem:v3+s7+$0x0] =	vst.idx.add.s32.msk vm2, v6  }
0x10a: {  	v1 =	vld [tilespmem:s15+$0x8020];
	_ =	sdelay $0x4  }
0x10b: {  	v2 =	vshrl.u32 v1, $0xB  }
0x10c: {  	v2 =	vand.u32 $0x7FF, v2  }
0x10d: {  	(xrf1) =	vunique.msk.u32 $0xffff, v2;
	_ =	sdelay $0x1  }
0x10e: {  	v3 =	vshrl.u32 v1, $0x16  }
0x10f: {  	(xrf1) =	vunique.msk.u32 $0xffff, v3;
	_ =	sdelay $0x6  }
0x110: {  	v4 =	vld.idx.msk [tilespmem:v2+s9+$0x0], $0xffff;
	_ =	sdelay $0x3  }
0x111: {  	_, v5, vm1 =	vpop (xrf1)  }
0x112: {  	v4 =	vadd.s32 v5, v4  }
0x113: {  	v4 =	vadd.s32 $0xFFFFFFFF, v4  }
0x114: {  	_, v6, vm2 =	vpop (xrf1);
	_ =	sdelay $0x3  }
0x115: {  	[tilespmem:v4+s13+$0x0] =	vst.idx.msk $0xffff, v1  }
0x116: {  	[tilespmem:v2+s9+$0x0] =	vst.idx.add.s32.msk vm1, v5  }
0x117: {  	[tilespmem:v3+s7+$0x0] =	vst.idx.add.s32.msk vm2, v6  }
0x118: {  	v1 =	vld [tilespmem:s15+$0x8030];
	_ =	sdelay $0x4  }
0x119: {  	v2 =	vshrl.u32 v1, $0xB  }
0x11a: {  	v2 =	vand.u32 $0x7FF, v2  }
0x11b: {  	(xrf1) =	vunique.msk.u32 $0xffff, v2;
	_ =	sdelay $0x1  }
0x11c: {  	v3 =	vshrl.u32 v1, $0x16  }
0x11d: {  	(xrf1) =	vunique.msk.u32 $0xffff, v3;
	_ =	sdelay $0x6  }
0x11e: {  	v4 =	vld.idx.msk [tilespmem:v2+s9+$0x0], $0xffff;
	_ =	sdelay $0x3  }
0x11f: {  	_, v5, vm1 =	vpop (xrf1)  }
0x120: {  	v4 =	vadd.s32 v5, v4  }
0x121: {  	v4 =	vadd.s32 $0xFFFFFFFF, v4  }
0x122: {  	_, v6, vm2 =	vpop (xrf1)  }
0x123: {  	p0 =	sne.s32 s14, $0x1FF00  }
.Ltmp7:
0x124: {  	_ = 	snop;
	(pc) =	sbr.rel @p0 .LBB2_16-.Ltmp7, $4  }
0x125: {  	_ = 	snop  }
0x126: {  	[tilespmem:v4+s13+$0x0] =	vst.idx.msk $0xffff, v1  }
0x127: {  	[tilespmem:v2+s9+$0x0] =	vst.idx.add.s32.msk vm1, v5  }
0x128: {  	s14 =	sadd.s32 $0x100, s14;
	[tilespmem:v3+s7+$0x0] =	vst.idx.add.s32.msk vm2, v6  }
0x129: {  	s16 =	sshra.s32 s13, $0x2  }
0x12a: {  	v1 =	vld [tilespmem:s16+$0x18000];
	_ =	sdelay $0x4  }
0x12b: {  	(xrf0) =	vadd.scan.msk.s32 $0xffff, v1;
	_ =	sdelay $0x5  }
0x12c: {  	v2, _, _ =	vpop (xrf0)  }
0x12d: {  	(v2sf) =	vpush v2, $0xF  }
0x12e: {  	v1 =	vsub.s32 s13, v1  }
0x12f: {  	s15 =	sadd.s32 $0x40, s13;
	v1 =	vadd.s32 v2, v1  }
0x130: {  	s14 =	sshra.s32 s15, $0x2;
	s15 =	sadd.s32 $0x40, s15;
	[tilespmem:s16+$0x18000] =	vst v1  }
.LBB2_18:
0x131: {  	p0 =	sne.s32 s15, $0x1FC0;
	v1 =	vld [tilespmem:s14+$0x18000];
	_ =	sdelay $0x4  }
0x132: {  	(xrf0) =	vadd.scan.msk.s32 $0xffff, v1;
	_ =	sdelay $0x5  }
.Ltmp8:
0x133: {  	v2, _, _ =	vpop (xrf0);
	s16 =	spop (v2sf);
	(pc) =	sbr.rel @p0 .LBB2_18-.Ltmp8, $4  }
0x134: {  	(v2sf) =	vpush v2, $0xF;
	s13 =	sadd.s32 s13, s16  }
0x135: {  	v1 =	vsub.s32 s13, v1  }
0x136: {  	v1 =	vadd.s32 v2, v1  }
0x137: {  	[tilespmem:s14+$0x18000] =	vst v1;
	s14 =	sshra.s32 s15, $0x2;
	s15 =	sadd.s32 $0x40, s15  }
0x138: {  	v1 =	vld [tilespmem:s14+$0x18000];
	_ =	sdelay $0x4  }
0x139: {  	(xrf0) =	vadd.scan.msk.s32 $0xffff, v1;
	_ =	sdelay $0x5  }
0x13a: {  	v2, _, _ =	vpop (xrf0)  }
0x13b: {  	(v2sf) =	vpush v2, $0xF;
	_ =	sdelay $0xa  }
0x13c: {  	s15 =	spop (v2sf)  }
0x13d: {  	s13 =	sadd.s32 s13, s15  }
0x13e: {  	v1 =	vsub.s32 s13, v1  }
0x13f: {  	v1 =	vadd.s32 v2, v1  }
0x140: {  	s15 =	simm.s32 $0x0;
	s13 =	simm.s32 $0x0;
	[tilespmem:s14+$0x18000] =	vst v1;
	s31 =	spop (v2sf)  }
.LBB2_20:
0x141: {  	s14 =	sshra.s32 s13, $0x2  }
0x142: {  	v1 =	vld [tilespmem:s14+$0x0];
	_ =	sdelay $0x4  }
0x143: {  	v2 =	vshrl.u32 v1, $0x16  }
0x144: {  	(xrf1) =	vunique.msk.u32 $0xffff, v2;
	_ =	sdelay $0x9  }
0x145: {  	v3 =	vld.idx.msk [tilespmem:v2+s7+$0x0], $0xffff;
	_ =	sdelay $0x3  }
0x146: {  	_, v4, vm1 =	vpop (xrf1)  }
0x147: {  	v3 =	vadd.s32 v3, v4  }
0x148: {  	v5 =	vadd.s32 $0xFFFFFFFF, v3;
	_ =	sdelay $0x1  }
0x149: {  	v3 =	vand.u32 $0x7FFF, v3;
	_ =	sdelay $0x2  }
0x14a: {  	[tilespmem:v5+s8+$0x0] =	vst.idx.msk $0xffff, v1  }
0x14b: {  	[tilespmem:v2+s7+$0x0] =	vst.idx.add.s32.msk vm1, v4  }
0x14c: {  	[tilespmem:v3+s10+$0x0] =	vst.idx.msk $0xffff, v1  }
0x14d: {  	v1 =	vld [tilespmem:s14+$0x10];
	_ =	sdelay $0x4  }
0x14e: {  	v2 =	vshrl.u32 v1, $0x16  }
0x14f: {  	(xrf1) =	vunique.msk.u32 $0xffff, v2;
	_ =	sdelay $0x9  }
0x150: {  	v3 =	vld.idx.msk [tilespmem:v2+s7+$0x0], $0xffff;
	_ =	sdelay $0x3  }
0x151: {  	_, v4, vm1 =	vpop (xrf1)  }
0x152: {  	v3 =	vadd.s32 v3, v4  }
0x153: {  	v61 =	vadd.s32 $0xFFFFFFFF, v3;
	_ =	sdelay $0x1  }
0x154: {  	v3 =	vand.u32 $0x7FFF, v3;
	_ =	sdelay $0x2  }
0x155: {  	[tilespmem:v61+s8+$0x0] =	vst.idx.msk $0xffff, v1  }
0x156: {  	[tilespmem:v2+s7+$0x0] =	vst.idx.add.s32.msk vm1, v4  }
0x157: {  	[tilespmem:v3+s10+$0x0] =	vst.idx.msk $0xffff, v1  }
0x158: {  	v1 =	vld [tilespmem:s14+$0x20];
	_ =	sdelay $0x4  }
0x159: {  	v2 =	vshrl.u32 v1, $0x16  }
0x15a: {  	(xrf1) =	vunique.msk.u32 $0xffff, v2;
	_ =	sdelay $0x9  }
0x15b: {  	v3 =	vld.idx.msk [tilespmem:v2+s7+$0x0], $0xffff;
	_ =	sdelay $0x3  }
0x15c: {  	_, v4, vm1 =	vpop (xrf1)  }
0x15d: {  	v3 =	vadd.s32 v3, v4  }
0x15e: {  	v62 =	vadd.s32 $0xFFFFFFFF, v3;
	_ =	sdelay $0x1  }
0x15f: {  	v3 =	vand.u32 $0x7FFF, v3;
	_ =	sdelay $0x2  }
0x160: {  	[tilespmem:v62+s8+$0x0] =	vst.idx.msk $0xffff, v1  }
0x161: {  	[tilespmem:v2+s7+$0x0] =	vst.idx.add.s32.msk vm1, v4  }
0x162: {  	[tilespmem:v3+s10+$0x0] =	vst.idx.msk $0xffff, v1  }
0x163: {  	v1 =	vld [tilespmem:s14+$0x30];
	_ =	sdelay $0x4  }
0x164: {  	v2 =	vshrl.u32 v1, $0x16  }
0x165: {  	(xrf1) =	vunique.msk.u32 $0xffff, v2;
	_ =	sdelay $0x9  }
0x166: {  	v3 =	vld.idx.msk [tilespmem:v2+s7+$0x0], $0xffff;
	_ =	sdelay $0x3  }
0x167: {  	_, v4, vm1 =	vpop (xrf1)  }
0x168: {  	v3 =	vadd.s32 v3, v4  }
0x169: {  	v63 =	vadd.s32 $0xFFFFFFFF, v3;
	_ =	sdelay $0x1  }
0x16a: {  	p0 =	seq.s32 s13, $0x1FF00;
	v3 =	vand.u32 $0x7FFF, v3  }
.Ltmp9:
0x16b: {  	_ = 	snop;
	(pc) =	sbr.rel @!p0 .LBB2_20-.Ltmp9, $4  }
0x16c: {  	_ = 	snop  }
0x16d: {  	[tilespmem:v63+s8+$0x0] =	vst.idx.msk $0xffff, v1  }
0x16e: {  	[tilespmem:v2+s7+$0x0] =	vst.idx.add.s32.msk vm1, v4  }
0x16f: {  	s13 =	sadd.s32 $0x100, s13;
	[tilespmem:v3+s10+$0x0] =	vst.idx.msk $0xffff, v1  }
0x170: {  	s14 =	simm.s32 $0x8040  }
0x171: {  	s16 =	simm.s32 $0x10040;
	v1 =	vld [tilespmem:s14+$0xFFFFFFC0]  }
0x172: {  	v5 =	vld [tilespmem:s16+$0x30]  }
0x173: {  	v3 =	vld [tilespmem:s16+$0xFFFFFFD0]  }
0x174: {  	v6 =	vld [tilespmem:s16+$0x0]  }
0x175: {  	v7 =	vld [tilespmem:s16+$0xFFFFFFF0]  }
0x176: {  	v8 =	vld [tilespmem:s14+$0x0]  }
0x177: {  	v10 =	vld [tilespmem:s14+$0xFFFFFFF0]  }
0x178: {  	v11 =	vld [tilespmem:s14+$0xFFFFFFD0]  }
0x179: {  	v12 =	vld [tilespmem:s16+$0xFFFFFFC0]  }
0x17a: {  	v13 =	vld [tilespmem:s14+$0x30]  }
0x17b: {  	v14 =	vld [tilespmem:s14+$0xFFFFFFE0]  }
0x17c: {  	v15 =	vld [tilespmem:s16+$0xFFFFFFE0]  }
0x17d: {  	v16 =	vld [tilespmem:s16+$0x10]  }
0x17e: {  	v9 =	vimm.s32 $0x0;
	p0 =	por $0x1, $0x1;
	vm1 =	vmmov vm0;
	v19 =	vld [tilespmem:s14+$0x10]  }
0x17f: {  	vm2 =	vmmov $0x1;
	vm1 =	vmneg @p0 vm1;
	vm3 =	vne.s32 v8, v6  }
0x180: {  	v2 =	vld [tilespmem:s16+$0x20];
	vm4 =	vmand vm1, vm2;
	vm1 =	vne.s32 v11, v3;
	v17 =	vsel vm3, $0x1, v0  }
0x181: {  	s17 =	simm.s32 $0x80C0;
	v4 =	vld [tilespmem:s14+$0x20];
	vm5 =	vne.s32 v13, v5;
	vm3 =	vne.s32 v10, v7;
	v18 =	vsel vm1, $0x1, v0;
	(xrf0) =	vadd.scan.msk.s32 $0xffff, v17  }
0x182: {  	s14 =	simm.s32 $0x100C0;
	v29 =	vld [tilespmem:s17+$0xFFFFFFD0];
	vm6 =	vne.s32 v14, v15;
	vm1 =	vne.s32 v1, v12;
	v20 =	vsel vm3, $0x1, v0;
	(xrf0) =	vadd.scan.msk.s32 $0xffff, v18  }
0x183: {  	v28 =	vld [tilespmem:s14+$0x0];
	vm8 =	vne.s32 v19, v16;
	vm7 =	vgt.u32 v3, v11;
	vm1 =	vmor vm4, vm1;
	(xrf0) =	vadd.scan.msk.s32 $0xffff, v20  }
0x184: {  	v11 =	vld [tilespmem:s14+$0xFFFFFFD0];
	vm9 =	vgt.u32 v5, v13;
	v24 =	vsel vm5, $0x1, v0;
	v21 =	vsel vm1, $0x1, v0  }
0x185: {  	v25 =	vsel vm6, $0x1, v0;
	vm6 =	vgt.u32 v6, v8;
	vm5 =	vgt.u32 v7, v10;
	v7 =	vld [tilespmem:s14+$0x20];
	(xrf0) =	vadd.scan.msk.s32 $0xffff, v21  }
0x186: {  	v26 =	vsel vm8, $0x1, v0;
	vm8 =	vgt.u32 v16, v19;
	v5 =	vsel vm9, $0x1, v0;
	v16 =	vld [tilespmem:s17+$0xFFFFFFE0];
	[tilespmem:s16+$0x30] =	vst v24  }
0x187: {  	v19 =	vld [tilespmem:s14+$0xFFFFFFE0];
	vm3 =	vne.s32 v4, v2;
	vm6 =	vmmov vm6;
	[tilespmem:s16+$0xFFFFFFE0] =	vst v25;
	(xrf0) =	vadd.scan.msk.s32 $0xffff, v25;
	v6, _, _ =	vpop (xrf0)  }
0x188: {  	[tilespmem:s16+$0xFFFFFFD0] =	vst v18;
	v30 =	vsel vm8, $0x1, v0;
	vm1 =	vgt.u32 v2, v4;
	v22 =	vsel vm3, $0x1, v0;
	v2 =	vld [tilespmem:s14+$0x30];
	v4, _, _ =	vpop (xrf0)  }
0x189: {  	vm3 =	vle.u32 v12, v1;
	v12 =	vld [tilespmem:s17+$0x20];
	[tilespmem:s16+$0xFFFFFFF0] =	vst v20;
	v18 =	vsel vm5, $0x1, v0;
	(v2sf) =	vpush v4, $0xF;
	v3, _, _ =	vpop (xrf0)  }
0x18a: {  	v1 =	vld [tilespmem:s17+$0x30];
	vm3 =	vmor vm4, vm3;
	v10 =	vsel vm1, $0x1, v0;
	(xrf0) =	vadd.scan.msk.s32 $0xffff, v26;
	(v2sf) =	vpush v3, $0xF  }
0x18b: {  	v20 =	vsel vm7, $0x1, v0;
	vm4 =	vmneg vm3;
	vm3 =	vgt.u32 v15, v14;
	v25 =	vld [tilespmem:s17+$0xFFFFFFF0];
	(xrf0) =	vadd.scan.msk.s32 $0xffff, v22;
	v15, _, _ =	vpop (xrf0)  }
0x18c: {  	[tilespmem:s16+$0x20] =	vst v22;
	vm14 =	vne.s32 v29, v11;
	v27 =	vsel vm4, $0x1, v0;
	v22 =	vld [tilespmem:s14+$0xFFFFFFF0];
	(v2sf) =	vpush v15, $0xF  }
0x18d: {  	p0 =	por $0x0, $0x0;
	vm4 =	vmmov vm0;
	vm15 =	vne.s32 v16, v19;
	(xrf0) =	vadd.scan.msk.s32 $0xffff, v24;
	v24 =	vld [tilespmem:s17+$0x0];
	v8, _, _ =	vpop (xrf0);
	(v2sf) =	vpush v6, $0xF  }
0x18e: {  	vm4 =	vmneg @p0 vm4;
	v9 =	vadd.s32 v27, v9;
	(v2sf) =	vpush v8, $0xF  }
0x18f: {  	v23 =	vld [tilespmem:s17+$0xFFFFFFC0];
	vm4 =	vmand vm4, vm2;
	vm12 =	vne.s32 v12, v7;
	vm1 =	vgt.u32 v7, v12  }
0x190: {  	[tilespmem:s16+$0xFFFFFFC0] =	vst v21;
	v21 =	vld [tilespmem:s14+$0xFFFFFFC0];
	vm13 =	vne.s32 v1, v2;
	v9 =	vadd.s32 v20, v9;
	v13 =	vadd.s32 s15, v15;
	v7, _, _ =	vpop (xrf0)  }
0x191: {  	[tilespmem:s16+$0x0] =	vst v17;
	v14 =	vsel vm12, $0x1, v0;
	v15 =	vsel vm13, $0x1, v0;
	(v2sf) =	vpush v7, $0xF;
	v12, _, _ =	vpop (xrf0)  }
0x192: {  	s13 =	simm.s32 $0x40;
	v17 =	vld [tilespmem:s14+$0x10];
	[tilespmem:s16+$0x10] =	vst v26;
	vm8 =	vne.s32 v25, v22;
	vm7 =	vne.s32 v24, v28;
	(v2sf) =	vpush v12, $0xF  }
0x193: {  	v20 =	vld [tilespmem:s17+$0x10];
	[tilespmem:s13+$0xFFFFFFC0] =	vst v13;
	vm5 =	vgt.u32 v28, v24;
	v24 =	vsel vm3, $0x1, v0;
	vm3 =	vgt.u32 v22, v25;
	v13, _, _ =	vpop (xrf0)  }
0x194: {  	[tilespmem:s14+$0x20] =	vst v14;
	v22 =	vsel vm14, $0x1, v0;
	v25 =	vsel vm15, $0x1, v0;
	(v2sf) =	vpush v13, $0xF  }
0x195: {  	[tilespmem:s14+$0x30] =	vst v15;
	v9 =	vadd.s32 v24, v9;
	v24 =	vsel vm6, $0x1, v0;
	vm6 =	vne.s32 v23, v21  }
0x196: {  	[tilespmem:s14+$0xFFFFFFE0] =	vst v25;
	v18 =	vadd.s32 v18, v9;
	v9 =	vsel vm7, $0x1, v0;
	vm7 =	vle.u32 v21, v23  }
0x197: {  	vm6 =	vmor vm4, vm6;
	v18 =	vadd.s32 v24, v18;
	(xrf0) =	vadd.scan.msk.s32 $0xffff, v9;
	v24 =	vsel vm8, $0x1, v0  }
0x198: {  	s18 =	simm.s32 $0x8140;
	s19 =	simm.s32 $0x10140;
	vm8 =	vne.s32 v20, v17;
	(xrf0) =	vadd.scan.msk.s32 $0xffff, v22;
	v23 =	vadd.s32 v30, v18;
	v18 =	vsel vm6, $0x1, v0;
	s20 =	spop (v2sf)  }
0x199: {  	s16 =	simm.s32 $0x40;
	s17 =	simm.s32 $0x8;
	vm6 =	vmor vm4, vm7;
	vm4 =	vgt.u32 v11, v29;
	v11 =	vsel vm8, $0x1, v0;
	(xrf0) =	vadd.scan.msk.s32 $0xffff, v24;
	s21 =	spop (v2sf)  }
.LBB2_22:
0x19a: {  	vm8 =	vmneg vm6;
	vm7 =	vgt.u32 v19, v16  }
0x19b: {  	s17 =	sadd.s32 $0x8, s17;
	v21 =	vld [tilespmem:s18+$0xFFFFFFC0];
	(xrf0) =	vadd.scan.msk.s32 $0xffff, v18;
	v10 =	vadd.s32 v10, v23;
	s13 =	sadd.s32 $0x80, s13;
	s22 =	spop (v2sf);
	vm6 =	vmmov vm5;
	v23 =	vsel vm8, $0x1, v0  }
0x19c: {  	p0 =	seq.s32 s17, $0x0;
	v16 =	vld [tilespmem:s19+$0x30];
	[tilespmem:s14+$0xFFFFFFF0] =	vst v24;
	(xrf0) =	vadd.scan.msk.s32 $0xffff, v25;
	s15 =	sadd.s32 s15, s22;
	v24 =	vadd.s32 v5, v10;
	s22 =	spop (v2sf);
	vm8 =	vmmov vm0  }
0x19d: {  	vm8 =	vmneg @p0 vm8;
	v19 =	vld [tilespmem:s19+$0x20];
	p0 =	slt.u32 s17, $0x7F8;
	[tilespmem:s14+$0xFFFFFFD0] =	vst v22;
	v22, _, _ =	vpop (xrf0);
	(xrf0) =	vadd.scan.msk.s32 $0xffff, v11;
	v5 =	vadd.s32 s15, v4;
	s15 =	sadd.s32 s15, s20;
	s20 =	spop (v2sf)  }
0x19e: {  	vm5 =	vgt.u32 v17, v20;
	vm9 =	vgt.u32 v2, v1;
	v26 =	vld [tilespmem:s19+$0xFFFFFFD0];
	v4, _, _ =	vpop (xrf0);
	[tilespmem:s16+$0xFFFFFFD0] =	vst v5;
	v1 =	vadd.s32 s15, v8;
	s15 =	sadd.s32 s15, s20  }
0x19f: {  	v2 =	vld [tilespmem:s18+$0x20];
	(v2sf) =	vpush v4, $0xF;
	[tilespmem:s16+$0xFFFFFFE0] =	vst v1;
	v8 =	vadd.s32 s15, v3;
	s15 =	sadd.s32 s15, s21  }
0x1a0: {  	vm8 =	vmand vm8, vm2;
	v5 =	vsel vm9, $0x1, v0;
	v1 =	vld [tilespmem:s18+$0x30];
	v3, _, _ =	vpop (xrf0);
	[tilespmem:s16+$0xFFFFFFF0] =	vst v8;
	v6 =	vadd.s32 s15, v6;
	s15 =	sadd.s32 s15, s22;
	s20 =	spop (v2sf)  }
0x1a1: {  	v17 =	vld [tilespmem:s19+$0x0];
	v20, _, _ =	vpop (xrf0);
	(v2sf) =	vpush v3, $0xF;
	(xrf0) =	vadd.scan.msk.s32 $0xffff, v14;
	[tilespmem:s16+$0x0] =	vst v6;
	v6 =	vadd.s32 s15, v7;
	s15 =	sadd.s32 s15, s20;
	s20 =	spop (v2sf)  }
0x1a2: {  	v25 =	vld [tilespmem:s19+$0xFFFFFFF0];
	(v2sf) =	vpush v20, $0xF;
	v8, _, _ =	vpop (xrf0);
	(xrf0) =	vadd.scan.msk.s32 $0xffff, v15;
	[tilespmem:s16+$0x10] =	vst v6;
	v6 =	vadd.s32 s15, v12;
	s15 =	sadd.s32 s15, s20  }
0x1a3: {  	v10 =	vsel vm1, $0x1, v0;
	v27 =	vld [tilespmem:s18+$0x0];
	(v2sf) =	vpush v22, $0xF;
	v7, _, _ =	vpop (xrf0);
	[tilespmem:s16+$0x20] =	vst v6;
	v13 =	vadd.s32 s15, v13;
	s20 =	spop (v2sf)  }
0x1a4: {  	v28 =	vld [tilespmem:s18+$0xFFFFFFF0];
	vm9 =	vne.s32 v2, v19;
	vm1 =	vgt.u32 v19, v2;
	(v2sf) =	vpush v8, $0xF;
	[tilespmem:s16+$0x30] =	vst v13;
	s15 =	sadd.s32 s15, s20;
	v2 =	vmovc v16;
	s16 =	smov.u32 s13  }
0x1a5: {  	v16 =	vld [tilespmem:s18+$0xFFFFFFE0];
	v14 =	vsel vm9, $0x1, v0;
	vm9 =	vne.s32 v1, v2;
	[tilespmem:s14+$0xFFFFFFC0] =	vst v18;
	v31 =	vadd.s32 s15, v20;
	v6 =	vmovc v22  }
0x1a6: {  	v30 =	vsel vm5, $0x1, v0;
	v18 =	vsel vm3, $0x1, v0;
	v29 =	vld [tilespmem:s18+$0xFFFFFFD0];
	v15 =	vsel vm9, $0x1, v0;
	[tilespmem:s13+$0xFFFFFFC0] =	vst v31  }
0x1a7: {  	v22 =	vadd.s32 v23, v24;
	v20 =	vsel vm4, $0x1, v0;
	v19 =	vld [tilespmem:s19+$0xFFFFFFE0];
	[tilespmem:s14+$0x0] =	vst v9;
	(v2sf) =	vpush v7, $0xF;
	v12, _, _ =	vpop (xrf0)  }
0x1a8: {  	v9 =	vadd.s32 v20, v22;
	v23 =	vld [tilespmem:s19+$0xFFFFFFC0];
	vm9 =	vne.s32 v27, v17;
	[tilespmem:s19+$0x20] =	vst v14;
	(v2sf) =	vpush v12, $0xF;
	v13, _, _ =	vpop (xrf0)  }
0x1a9: {  	v22 =	vsel vm7, $0x1, v0;
	vm5 =	vgt.u32 v17, v27;
	vm4 =	vne.s32 v28, v25;
	v17 =	vld [tilespmem:s19+$0x10];
	[tilespmem:s19+$0x30] =	vst v15  }
0x1aa: {  	v9 =	vadd.s32 v22, v9;
	vm3 =	vgt.u32 v25, v28;
	v20 =	vld [tilespmem:s18+$0x10];
	(v2sf) =	vpush v13, $0xF  }
0x1ab: {  	v24 =	vsel vm6, $0x1, v0;
	v18 =	vadd.s32 v18, v9;
	vm7 =	vne.s32 v29, v26  }
.Ltmp10:
0x1ac: {  	v9 =	vsel vm9, $0x1, v0;
	v18 =	vadd.s32 v24, v18;
	v22 =	vsel vm7, $0x1, v0;
	[tilespmem:s14+$0x10] =	vst v11;
	s14 =	smov.u32 s19;
	(pc) =	sbr.rel @p0 .LBB2_22-.Ltmp10, $4  }
0x1ad: {  	vm9 =	vne.s32 v16, v19;
	vm6 =	vne.s32 v21, v23;
	vm7 =	vle.u32 v23, v21;
	(xrf0) =	vadd.scan.msk.s32 $0xffff, v9  }
0x1ae: {  	v25 =	vsel vm9, $0x1, v0;
	v23 =	vadd.s32 v30, v18;
	vm6 =	vmor vm8, vm6;
	(xrf0) =	vadd.scan.msk.s32 $0xffff, v22;
	s20 =	spop (v2sf)  }
0x1af: {  	v24 =	vsel vm4, $0x1, v0;
	v18 =	vsel vm6, $0x1, v0;
	[tilespmem:s19+$0xFFFFFFE0] =	vst v25;
	vm9 =	vne.s32 v20, v17  }
0x1b0: {  	s18 =	sadd.s32 $0x80, s18;
	vm4 =	vgt.u32 v26, v29;
	vm6 =	vmor vm8, vm7;
	s19 =	sadd.s32 $0x80, s19;
	v11 =	vsel vm9, $0x1, v0;
	(xrf0) =	vadd.scan.msk.s32 $0xffff, v24;
	s21 =	spop (v2sf)  }
0x1b1: {  	(xrf0) =	vadd.scan.msk.s32 $0xffff, v18;
	_ =	sdelay $0x1  }
0x1b2: {  	(xrf0) =	vadd.scan.msk.s32 $0xffff, v25  }
0x1b3: {  	v21, _, _ =	vpop (xrf0)  }
0x1b4: {  	v25, _, _ =	vpop (xrf0)  }
0x1b5: {  	(xrf0) =	vadd.scan.msk.s32 $0xffff, v11;
	(v2sf) =	vpush v25, $0xF;
	v26, _, _ =	vpop (xrf0)  }
0x1b6: {  	v27, _, _ =	vpop (xrf0);
	(v2sf) =	vpush v26, $0xF;
	(xrf0) =	vadd.scan.msk.s32 $0xffff, v14  }
0x1b7: {  	(v2sf) =	vpush v27, $0xF  }
0x1b8: {  	v14, _, _ =	vpop (xrf0);
	(v2sf) =	vpush v21, $0xF  }
0x1b9: {  	(v2sf) =	vpush v14, $0xF;
	_ =	sdelay $0x1  }
0x1ba: {  	s17 =	spop (v2sf);
	(xrf0) =	vadd.scan.msk.s32 $0xffff, v15;
	v15, _, _ =	vpop (xrf0)  }
0x1bb: {  	[tilespmem:s14+$0xFFFFFFF0] =	vst v24;
	s23 =	spop (v2sf);
	(v2sf) =	vpush v15, $0xF;
	v24, _, _ =	vpop (xrf0)  }
0x1bc: {  	[tilespmem:s14+$0xFFFFFFD0] =	vst v22;
	s18 =	spop (v2sf);
	(v2sf) =	vpush v24, $0xF  }
0x1bd: {  	[tilespmem:s14+$0xFFFFFFC0] =	vst v18;
	s15 =	sadd.s32 s15, s17  }
0x1be: {  	[tilespmem:s14+$0x0] =	vst v9;
	v4 =	vadd.s32 s15, v4;
	s15 =	sadd.s32 s15, s20  }
0x1bf: {  	[tilespmem:s16+$0xFFFFFFD0] =	vst v4;
	v4 =	vadd.s32 s15, v8;
	s15 =	sadd.s32 s15, s18  }
0x1c0: {  	[tilespmem:s16+$0xFFFFFFE0] =	vst v4;
	v3 =	vadd.s32 s15, v3;
	s15 =	sadd.s32 s15, s21;
	s24 =	spop (v2sf)  }
0x1c1: {  	[tilespmem:s16+$0xFFFFFFF0] =	vst v3;
	v3 =	vadd.s32 s15, v6;
	s15 =	sadd.s32 s15, s23;
	s25 =	spop (v2sf)  }
0x1c2: {  	[tilespmem:s16+$0x0] =	vst v3;
	v3 =	vadd.s32 s15, v7;
	s15 =	sadd.s32 s15, s24;
	s26 =	spop (v2sf)  }
0x1c3: {  	[tilespmem:s16+$0x10] =	vst v3;
	v3 =	vadd.s32 s15, v12;
	s15 =	sadd.s32 s15, s25;
	s28 =	spop (v2sf)  }
0x1c4: {  	vm2 =	vmneg vm6;
	[tilespmem:s16+$0x20] =	vst v3;
	v3 =	vadd.s32 s15, v13;
	s15 =	sadd.s32 s15, s26;
	s29 =	spop (v2sf)  }
0x1c5: {  	vm15 =	vgt.u32 v19, v16;
	s13 =	sadd.s32 $0x80, s13;
	v4 =	vadd.s32 v10, v23;
	[tilespmem:s16+$0x30] =	vst v3;
	v3 =	vadd.s32 s15, v27;
	s30 =	spop (v2sf)  }
0x1c6: {  	v6 =	vsel vm2, $0x1, v0;
	vm2 =	vgt.u32 v2, v1;
	[tilespmem:s13+$0xFFFFFFC0] =	vst v3;
	v3 =	vadd.s32 v5, v4;
	s15 =	sadd.s32 s15, s30;
	s31 =	spop (v2sf)  }
0x1c7: {  	[tilespmem:s14+$0x10] =	vst v11;
	v2 =	vsel vm4, $0x1, v0;
	v1 =	vadd.s32 v6, v3;
	v3 =	vadd.s32 s15, v25;
	s15 =	sadd.s32 s15, s28;
	s16 =	spop (v2sf)  }
0x1c8: {  	v1 =	vadd.s32 v2, v1;
	v2 =	vsel vm15, $0x1, v0;
	[tilespmem:s13+$0xFFFFFFD0] =	vst v3;
	v3 =	vadd.s32 s15, v14;
	s14 =	sadd.s32 s15, s16  }
0x1c9: {  	v1 =	vadd.s32 v2, v1;
	[tilespmem:s13+$0xFFFFFFE0] =	vst v3;
	v2 =	vadd.s32 s14, v26;
	s14 =	sadd.s32 s14, s29  }
0x1ca: {  	s18 =	spop (v2sf);
	[tilespmem:s13+$0xFFFFFFF0] =	vst v2;
	v2 =	vadd.s32 s14, v21;
	s14 =	sadd.s32 s14, s31  }
0x1cb: {  	vm5 =	vmmov vm5;
	vm7 =	vgt.u32 v17, v20;
	v8, _, _ =	vpop (xrf0);
	[tilespmem:s13+$0x0] =	vst v2;
	v2 =	vadd.s32 s14, v15;
	s14 =	sadd.s32 s14, s18;
	s19 =	spop (v2sf)  }
0x1cc: {  	v4 =	vsel vm3, $0x1, v0;
	(v2sf) =	vpush v8, $0xF;
	[tilespmem:s13+$0x10] =	vst v2;
	v2 =	vadd.s32 s14, v24;
	s14 =	sadd.s32 s14, s19  }
0x1cd: {  	v1 =	vadd.s32 v4, v1;
	v3 =	vsel vm5, $0x1, v0;
	[tilespmem:s13+$0x20] =	vst v2;
	v2 =	vadd.s32 s14, v8  }
0x1ce: {  	s22 =	simm.s32 $0x0;
	v4 =	vsel vm7, $0x1, v0;
	v1 =	vadd.s32 v3, v1;
	[tilespmem:s13+$0x30] =	vst v2  }
0x1cf: {  	v3 =	vsel vm1, $0x1, v0;
	v1 =	vadd.s32 v4, v1;
	v5 =	vld [tilespmem:s22+$0x17FF0]  }
0x1d0: {  	v4 =	vsel vm2, $0x1, v0;
	v1 =	vadd.s32 v3, v1;
	v9 =	vld [tilespmem:s22+$0x17FE0]  }
0x1d1: {  	v1 =	vadd.s32 v4, v1;
	v4 =	vld [tilespmem:s22+$0x17FD0];
	_ =	sdelay $0x1  }
0x1d2: {  	v10 =	vld [tilespmem:s22+$0x17FC0]  }
0x1d3: {  	(xrf0) =	vadd.scan.msk.s32 $0xffff, v5  }
0x1d4: {  	(xrf0) =	vadd.scan.msk.s32 $0xffff, v9  }
0x1d5: {  	v12 =	vld [tilespmem:s22+$0x17FB0];
	(xrf0) =	vadd.scan.msk.s32 $0xffff, v4  }
0x1d6: {  	v13 =	vld [tilespmem:s22+$0x17FA0]  }
0x1d7: {  	(xrf0) =	vadd.scan.msk.s32 $0xffff, v10  }
0x1d8: {  	v7 =	vld [tilespmem:s22+$0x17F90]  }
0x1d9: {  	v8 =	vld [tilespmem:s22+$0x17F80];
	v14, _, _ =	vpop (xrf0)  }
0x1da: {  	(xrf0) =	vadd.scan.msk.s32 $0xffff, v12;
	(v2sf) =	vpush v14, $0xF;
	v15, _, _ =	vpop (xrf0)  }
0x1db: {  	s20 =	spop (v2sf);
	(xrf0) =	vadd.scan.msk.s32 $0xffff, v13;
	(v2sf) =	vpush v15, $0xF;
	v17, _, _ =	vpop (xrf0)  }
0x1dc: {  	(v2sf) =	vpush v17, $0xF  }
0x1dd: {  	v16 =	vld [tilespmem:s22+$0x7FE0];
	(xrf0) =	vadd.scan.msk.s32 $0xffff, v7;
	v19, _, _ =	vpop (xrf0)  }
0x1de: {  	v18 =	vld [tilespmem:s22+$0x7FC0];
	(xrf0) =	vadd.scan.msk.s32 $0xffff, v8;
	(v2sf) =	vpush v19, $0xF  }
0x1df: {  	v20 =	vld [tilespmem:s22+$0x7FA0]  }
0x1e0: {  	v21 =	vld [tilespmem:s22+$0x7F90];
	v22, _, _ =	vpop (xrf0)  }
0x1e1: {  	v25 =	vld [tilespmem:s22+$0x7F80];
	(v2sf) =	vpush v22, $0xF;
	v24, _, _ =	vpop (xrf0)  }
0x1e2: {  	s21 =	sadd.s32 s14, s20;
	v27 =	vld [tilespmem:s22+$0x7FD0];
	(v2sf) =	vpush v24, $0xF  }
0x1e3: {  	v2 =	vmov s21;
	v28 =	vld [tilespmem:s22+$0x7FF0];
	v26, _, _ =	vpop (xrf0)  }
0x1e4: {  	v11 =	vimm.s32 $0x0;
	s13 =	simm.s32 $0xFFFFFF80;
	v23 =	vld [tilespmem:s22+$0x7FB0];
	v30 =	vadd.s32 v2, v7;
	(v2sf) =	vpush v26, $0xF;
	v29, _, _ =	vpop (xrf0)  }
0x1e5: {  	v3 =	vld [tilespmem:s13+$0x17FF0];
	v31 =	vadd.s32 v2, v13;
	v32 =	vadd.s32 v2, v8;
	(v2sf) =	vpush v29, $0xF  }
0x1e6: {  	v6 =	vld [tilespmem:s13+$0x17FE0];
	v33 =	vadd.s32 v2, v10;
	v34 =	vadd.s32 v2, v12;
	v21 =	vadd.s32 v7, v21  }
0x1e7: {  	v35 =	vadd.s32 v2, v9;
	v36 =	vadd.s32 v2, v4;
	v25 =	vadd.s32 v8, v25;
	v7 =	vld [tilespmem:s13+$0x17FD0]  }
0x1e8: {  	v37 =	vadd.s32 v2, v5;
	v27 =	vadd.s32 v4, v27;
	v5 =	vadd.s32 v5, v28;
	v8 =	vld [tilespmem:s13+$0x17FC0]  }
0x1e9: {  	v9 =	vadd.s32 v9, v16;
	v4 =	vld [tilespmem:s13+$0x17FB0];
	v10 =	vadd.s32 v10, v18;
	v12 =	vadd.s32 v12, v23;
	s23 =	spop (v2sf)  }
0x1ea: {  	v13 =	vadd.s32 v13, v20;
	v14 =	vsub.s32 v5, v14;
	(xrf0) =	vadd.scan.msk.s32 $0xffff, v3;
	v16 =	vsub.s32 v12, v22;
	s14 =	sadd.s32 $0x0, s23;
	s24 =	spop (v2sf)  }
0x1eb: {  	(xrf0) =	vadd.scan.msk.s32 $0xffff, v6;
	v22 =	vsub.s32 v13, v24;
	v13 =	vsub.s32 v9, v15;
	v12 =	vadd.s32 s14, v14;
	s14 =	sadd.s32 s14, s24;
	s25 =	spop (v2sf)  }
0x1ec: {  	v5 =	vld [tilespmem:s13+$0x17FA0];
	(xrf0) =	vadd.scan.msk.s32 $0xffff, v7;
	vm1 =	vne.s32 v12, v37;
	v12 =	vadd.s32 s14, v13;
	s14 =	sadd.s32 s14, s25;
	v13 =	vsub.s32 v27, v17  }
0x1ed: {  	v9 =	vld [tilespmem:s13+$0x17F90];
	(xrf0) =	vadd.scan.msk.s32 $0xffff, v8;
	s26 =	spop (v2sf);
	v15 =	vsel vm1, $0x1, v0;
	vm1 =	vne.s32 v12, v35;
	v12 =	vadd.s32 s14, v13  }
0x1ee: {  	(xrf0) =	vadd.scan.msk.s32 $0xffff, v4;
	v14 =	vsub.s32 v10, v19;
	v10 =	vld [tilespmem:s13+$0x17F80];
	s14 =	sadd.s32 s14, s26;
	v11 =	vadd.s32 v15, v11;
	v13 =	vsel vm1, $0x1, v0  }
0x1ef: {  	vm1 =	vne.s32 v12, v36;
	v15 =	vadd.s32 v13, v11;
	v11 =	vadd.s32 s14, v14  }
0x1f0: {  	v20 =	vsub.s32 v21, v26;
	s28 =	spop (v2sf);
	v14 =	vsel vm1, $0x1, v0;
	v12, _, _ =	vpop (xrf0);
	vm1 =	vne.s32 v11, v33  }
0x1f1: {  	v21 =	vsub.s32 v25, v29;
	s14 =	sadd.s32 s14, s28;
	s29 =	spop (v2sf);
	(xrf0) =	vadd.scan.msk.s32 $0xffff, v5;
	(v2sf) =	vpush v12, $0xF;
	v13, _, _ =	vpop (xrf0);
	v18 =	vsel vm1, $0x1, v0  }
0x1f2: {  	v17 =	vadd.s32 v14, v15;
	v19 =	vadd.s32 s14, v16;
	s14 =	sadd.s32 s14, s29;
	(xrf0) =	vadd.scan.msk.s32 $0xffff, v9;
	(v2sf) =	vpush v13, $0xF;
	v11, _, _ =	vpop (xrf0)  }
0x1f3: {  	v14 =	vld [tilespmem:s13+$0x7FE0];
	s30 =	spop (v2sf);
	vm1 =	vne.s32 v19, v34;
	v19 =	vadd.s32 s14, v22;
	(xrf0) =	vadd.scan.msk.s32 $0xffff, v10;
	(v2sf) =	vpush v11, $0xF;
	v15, _, _ =	vpop (xrf0)  }
0x1f4: {  	v16 =	vld [tilespmem:s13+$0x7FC0];
	s14 =	sadd.s32 s14, s30;
	v23 =	vadd.s32 v18, v17;
	v22 =	vsel vm1, $0x1, v0;
	s31 =	spop (v2sf);
	(v2sf) =	vpush v15, $0xF;
	v18, _, _ =	vpop (xrf0)  }
0x1f5: {  	v17 =	vld [tilespmem:s13+$0x7FA0];
	vm1 =	vne.s32 v19, v31;
	v20 =	vadd.s32 s14, v20;
	s16 =	sadd.s32 s14, s31;
	(v2sf) =	vpush v18, $0xF  }
0x1f6: {  	v24 =	vadd.s32 v22, v23;
	v23 =	vld [tilespmem:s13+$0x7F90];
	v25 =	vsel vm1, $0x1, v0;
	v21 =	vadd.s32 s16, v21  }
0x1f7: {  	v22 =	vld [tilespmem:s13+$0x7FB0];
	vm1 =	vne.s32 v20, v30;
	v27 =	vadd.s32 v25, v24;
	v19, _, _ =	vpop (xrf0)  }
0x1f8: {  	v24 =	vld [tilespmem:s13+$0x7F80];
	v28 =	vsel vm1, $0x1, v0;
	vm2 =	vne.s32 v21, v32;
	v20, _, _ =	vpop (xrf0);
	(v2sf) =	vpush v19, $0xF  }
0x1f9: {  	s15 =	simm.s32 $0xFFFFFC00;
	s14 =	simm.s32 $0x8;
	v25 =	vld [tilespmem:s13+$0x7FD0];
	v27 =	vadd.s32 v28, v27;
	v26 =	vsel vm2, $0x1, v0;
	v21, _, _ =	vpop (xrf0);
	(v2sf) =	vpush v20, $0xF  }
.LBB2_24:
0x1fa: {  	s14 =	sadd.s32 $0x8, s14;
	v28 =	vld [tilespmem:s13+$0x7FF0];
	s13 =	sshra.s32 s15, $0x2;
	v29 =	vadd.s32 v2, v9;
	v26 =	vadd.s32 v26, v27  }
0x1fb: {  	v30 =	vadd.s32 v2, v5;
	v31 =	vadd.s32 v2, v10;
	v27 =	vld [tilespmem:s13+$0x17FF0];
	p0 =	slt.u32 s14, $0x7F8;
	(v2sf) =	vpush v21, $0xF  }
0x1fc: {  	v33 =	vadd.s32 v2, v8;
	v34 =	vadd.s32 v2, v4;
	v9 =	vadd.s32 v9, v23;
	v32 =	vld [tilespmem:s13+$0x17FE0]  }
0x1fd: {  	v35 =	vadd.s32 v2, v6;
	v36 =	vadd.s32 v2, v7;
	v23 =	vld [tilespmem:s13+$0x17FD0];
	v10 =	vadd.s32 v10, v24  }
0x1fe: {  	v37 =	vadd.s32 v2, v3;
	v22 =	vadd.s32 v4, v22;
	v24 =	vld [tilespmem:s13+$0x17FC0];
	v7 =	vadd.s32 v7, v25  }
0x1ff: {  	v6 =	vadd.s32 v6, v14;
	v8 =	vadd.s32 v8, v16;
	v14 =	vadd.s32 v5, v17;
	v4 =	vld [tilespmem:s13+$0x17FB0]  }
0x200: {  	v25 =	vsub.s32 v9, v20;
	v21 =	vsub.s32 v10, v21;
	v17 =	vadd.s32 v3, v28;
	v5 =	vld [tilespmem:s13+$0x17FA0];
	(xrf0) =	vadd.scan.msk.s32 $0xffff, v27;
	s17 =	spop (v2sf)  }
0x201: {  	v19 =	vsub.s32 v14, v19;
	v18 =	vsub.s32 v22, v18;
	v16 =	vsub.s32 v17, v12;
	v9 =	vld [tilespmem:s13+$0x17F90];
	(xrf0) =	vadd.scan.msk.s32 $0xffff, v32;
	s16 =	sadd.s32 s16, s17;
	s17 =	spop (v2sf)  }
0x202: {  	v3 =	vmovc v27;
	v10 =	vld [tilespmem:s13+$0x17F80];
	(xrf0) =	vadd.scan.msk.s32 $0xffff, v23;
	v12 =	vadd.s32 s16, v16;
	s16 =	sadd.s32 s16, s17;
	v16 =	vsub.s32 v6, v13;
	v13 =	vsub.s32 v8, v15;
	s17 =	spop (v2sf)  }
0x203: {  	v6 =	vmovc v32;
	v14 =	vld [tilespmem:s13+$0x7FE0];
	(xrf0) =	vadd.scan.msk.s32 $0xffff, v24;
	vm1 =	vne.s32 v12, v37;
	v20 =	vadd.s32 s16, v16;
	s16 =	sadd.s32 s16, s17;
	v12 =	vsub.s32 v7, v11;
	s17 =	spop (v2sf)  }
0x204: {  	v7 =	vmovc v23;
	v16 =	vld [tilespmem:s13+$0x7FC0];
	(xrf0) =	vadd.scan.msk.s32 $0xffff, v4;
	v11 =	vsel vm1, $0x1, v0;
	vm1 =	vne.s32 v20, v35;
	v20 =	vadd.s32 s16, v12;
	s18 =	spop (v2sf)  }
0x205: {  	v8 =	vmovc v24;
	s16 =	sadd.s32 s16, s17;
	v17 =	vld [tilespmem:s13+$0x7FA0];
	(xrf0) =	vadd.scan.msk.s32 $0xffff, v5;
	v11 =	vadd.s32 v11, v26;
	v15 =	vsel vm1, $0x1, v0;
	vm1 =	vne.s32 v20, v36  }
0x206: {  	v22 =	vadd.s32 s16, v13;
	s16 =	sadd.s32 s16, s18;
	v12, _, _ =	vpop (xrf0);
	(xrf0) =	vadd.scan.msk.s32 $0xffff, v9;
	v15 =	vadd.s32 v15, v11;
	v20 =	vsel vm1, $0x1, v0  }
0x207: {  	vm1 =	vne.s32 v22, v33;
	v18 =	vadd.s32 s16, v18;
	(v2sf) =	vpush v12, $0xF;
	v13, _, _ =	vpop (xrf0);
	(xrf0) =	vadd.scan.msk.s32 $0xffff, v10;
	s17 =	spop (v2sf)  }
0x208: {  	v20 =	vadd.s32 v20, v15;
	v22 =	vsel vm1, $0x1, v0;
	(v2sf) =	vpush v13, $0xF;
	v11, _, _ =	vpop (xrf0);
	s16 =	sadd.s32 s16, s17;
	s17 =	spop (v2sf)  }
0x209: {  	vm1 =	vne.s32 v18, v34;
	v20 =	vadd.s32 v22, v20;
	(v2sf) =	vpush v11, $0xF;
	v15, _, _ =	vpop (xrf0);
	s17 =	sadd.s32 s16, s17  }
0x20a: {  	v22 =	vsel vm1, $0x1, v0;
	v23 =	vadd.s32 s16, v19;
	(v2sf) =	vpush v15, $0xF;
	v18, _, _ =	vpop (xrf0);
	s16 =	spop (v2sf)  }
.Ltmp11:
0x20b: {  	v24 =	vadd.s32 v22, v20;
	vm1 =	vne.s32 v23, v30;
	(v2sf) =	vpush v18, $0xF;
	v19, _, _ =	vpop (xrf0);
	s16 =	sadd.s32 s17, s16;
	(pc) =	sbr.rel @p0 .LBB2_24-.Ltmp11, $4  }
0x20c: {  	v25 =	vadd.s32 s17, v25;
	v26 =	vsel vm1, $0x1, v0;
	v23 =	vld [tilespmem:s13+$0x7F90];
	v20, _, _ =	vpop (xrf0);
	v27 =	vadd.s32 s16, v21  }
0x20d: {  	vm1 =	vne.s32 v25, v29;
	v28 =	vadd.s32 v26, v24;
	v22 =	vld [tilespmem:s13+$0x7FB0];
	v21, _, _ =	vpop (xrf0);
	vm2 =	vne.s32 v27, v31  }
0x20e: {  	v27 =	vsel vm1, $0x1, v0;
	v24 =	vld [tilespmem:s13+$0x7F80];
	(v2sf) =	vpush v19, $0xF;
	v26 =	vsel vm2, $0x1, v0  }
0x20f: {  	s15 =	sadd.s32 $0xFFFFFE00, s15;
	v27 =	vadd.s32 v27, v28;
	v25 =	vld [tilespmem:s13+$0x7FD0];
	(v2sf) =	vpush v20, $0xF  }
0x210: {  	(v2sf) =	vpush v21, $0xF  }
0x211: {  	v28 =	vld [tilespmem:s13+$0x7FF0];
	v29 =	vadd.s32 v2, v9;
	v26 =	vadd.s32 v26, v27;
	v48 =	vadd.s32 v2, v5  }
0x212: {  	v30 =	vadd.s32 v2, v10;
	v31 =	vadd.s32 v2, v8;
	v32 =	vadd.s32 v2, v4  }
0x213: {  	v50 =	vadd.s32 v2, v6;
	v33 =	vadd.s32 v2, v7;
	v2 =	vadd.s32 v2, v3  }
0x214: {  	v54 =	vadd.s32 v6, v14;
	v55 =	vadd.s32 v8, v16;
	v56 =	vadd.s32 v5, v17  }
0x215: {  	v49 =	vadd.s32 v9, v23;
	v5 =	vsub.s32 v56, v19;
	v6 =	vsub.s32 v54, v13  }
0x216: {  	v8 =	vsub.s32 v55, v15;
	v53 =	vadd.s32 v4, v22;
	v3 =	vadd.s32 v3, v28;
	s25 =	spop (v2sf)  }
0x217: {  	v9 =	vsub.s32 v49, v20;
	v51 =	vadd.s32 v10, v24;
	v3 =	vsub.s32 v3, v12;
	s13 =	sadd.s32 s16, s25;
	s14 =	spop (v2sf)  }
0x218: {  	v4 =	vsub.s32 v53, v18;
	v52 =	vadd.s32 v7, v25;
	v3 =	vadd.s32 s13, v3;
	s13 =	sadd.s32 s13, s14  }
0x219: {  	v10 =	vsub.s32 v51, v21;
	s26 =	spop (v2sf);
	vm1 =	vne.s32 v3, v2;
	v2 =	vadd.s32 s13, v6  }
0x21a: {  	s13 =	sadd.s32 s13, s26;
	v3 =	vsub.s32 v52, v11;
	s28 =	spop (v2sf);
	v57 =	vsel vm1, $0x1, v0;
	vm1 =	vne.s32 v2, v50  }
0x21b: {  	v2 =	vadd.s32 s13, v3;
	s15 =	spop (v2sf);
	s13 =	sadd.s32 s13, s28;
	v3 =	vadd.s32 v57, v26;
	v58 =	vsel vm1, $0x1, v0  }
0x21c: {  	vm1 =	vne.s32 v2, v33;
	v2 =	vadd.s32 v58, v3;
	v3 =	vadd.s32 s13, v8;
	s13 =	sadd.s32 s13, s15  }
0x21d: {  	v59 =	vsel vm1, $0x1, v0;
	vm1 =	vne.s32 v3, v31;
	v3 =	vadd.s32 s13, v4;
	s29 =	spop (v2sf)  }
0x21e: {  	v2 =	vadd.s32 v59, v2;
	v60 =	vsel vm1, $0x1, v0;
	s13 =	sadd.s32 s13, s29;
	s30 =	spop (v2sf);
	vm1 =	vne.s32 v3, v32  }
0x21f: {  	v2 =	vadd.s32 v60, v2;
	s14 =	sadd.s32 s13, s30;
	v3 =	vsel vm1, $0x1, v0;
	v61 =	vadd.s32 s13, v5;
	s31 =	spop (v2sf)  }
0x220: {  	v2 =	vadd.s32 v3, v2;
	vm1 =	vne.s32 v61, v48;
	s13 =	sadd.s32 s14, s31;
	v3 =	vadd.s32 s14, v9  }
0x221: {  	v4 =	vsel vm1, $0x1, v0;
	v62 =	vadd.s32 s13, v10;
	vm1 =	vne.s32 v3, v29  }
0x222: {  	v2 =	vadd.s32 v4, v2;
	vm2 =	vne.s32 v62, v30;
	v3 =	vsel vm1, $0x1, v0  }
0x223: {  	v63 =	vsel vm2, $0x1, v0;
	v2 =	vadd.s32 v3, v2  }
0x224: {  	s12 =	sadd.s32 $0x1, s12;
	v2 =	vadd.s32 v63, v2  }
0x225: {  	p0 =	sne.s32 s12, s5;
	v1 =	vadd.s32 v1, v2  }
.Ltmp12:
0x226: {  	[tilespmem:$0x19000] =	vst v1;
	(pc) =	sbr.rel @p0 .LBB2_1-.Ltmp12, $4  }
0x227: {  	[hbm4b:s4+s2] =	stream.linear.scatter [tilespmem:s11], [sflag:$0x1], $0x80, $0x38;
	[tilespmem:$0x19080] =	vst v63  }
0x228: {  	_ =	swait.ge [sflag:s6], $0x80  }
0x229: {  	[sflag:s6] =	ssyncset.done $0x0  }
0x22a: {  	[sflag:s6] =	ssyncadd.s32 $0xFFFFFF80  }
0x22b: {  	_ =	sfence.sel $0x180000  }
0x22c: {  	[bflag:$0x0] =	sbarrier.arrive $0xFFFF  }
0x22d: {  	p0 =	sne.s32 s1, $0x0;
	_ =	strace $0x90000047  }
0x22e: {  	s0 =	sadd.s32 @!p0 $0x100000, s0;
	[bflag:$0x2] =	sbarrier.arrive $0xFFFF  }
0x22f: {  	[sflag:s0] =	ssyncadd.tile.s32 @!p0 $0x1;
	_ =	shalt  }
.Lfunc_end2:
_tile_overlayer_lowered:
.L_overlay_start_2:
0x230: {  	(tag) =	ssettag $0x2  }
0x231: {  	s0 =	rddreg [dreg:$0x0];
	s2 =	stileid.u32  }
0x232: {  	s1 =	rddreg [dreg:$0x1];
	p0 =	sne.s32 s2, $0x0  }
0x233: {  	s3 =	rddreg [dreg:$0x2];
	[bflag:$0x3] =	sbarrier.arrive $0xFFFF;
	s2 =	simm.s32 @!p0 $0x1C01  }
0x234: {  	[timem:s3], [sflag:s2] =	dma.local @!p0 [hbm:s0], s1  }
0x235: {  	s0 =	simm.s32 @!p0 $0x1  }
0x236: {  	_ =	swait.ge @!p0 [sflag:s0], s1  }
0x237: {  	s1 =	ssub.s32 @!p0 $0x0, s1;
	[sflag:s0] =	ssyncset.done @!p0 $0x0  }
0x238: {  	[sflag:s0] =	ssyncadd.s32 @!p0 s1  }
0x239: {  	[bflag:$0x3] =	sbarrier.arrive $0xFFFF  }
0x23a: {  	_ =	shalt  }

</sc_bundles>
